<compile_context>
chip_gen: v7x
topology: tpu7x:2x2x1
jax: 0.10.2.dev20260603
libtpu: 0.0.44.dev20260713+nightly
codegen_flags: <defaults>
</compile_context>

<pallas_src>
import functools

import jax
import jax.numpy as jnp
from jax import lax
from jax.experimental import pallas as pl
from jax.experimental.pallas import tpu as pltpu
from jax.experimental.pallas import tpu_sc as plsc

B = 16384
D = 64
NC = 2
NS = 16
NW = NC * NS
PER_W = B // NW
CH = 128
NCHUNK = PER_W // CH

CB = 16384
NB = 34
HALF = CB * NB
N_ENT = 1100000


def _tc_transpose(ent_t):
    def body(a_ref, b_ref, o_ref):
        o_ref[:, 0:64] = jnp.swapaxes(a_ref[...], 0, 1)
        o_ref[:, 64:128] = jnp.swapaxes(b_ref[...], 0, 1)

    return pl.pallas_call(
        body,
        grid=(NB,),
        in_specs=[
            pl.BlockSpec((D, CB), lambda b: (0, b)),
            pl.BlockSpec((D, CB), lambda b: (0, b + NB)),
        ],
        out_specs=pl.BlockSpec((CB, 128), lambda b: (b, 0)),
        out_shape=jax.ShapeDtypeStruct((HALF, 128), jnp.float32),
        compiler_params=pltpu.CompilerParams(
            vmem_limit_bytes=110 * 1024 * 1024),
    )(ent_t, ent_t)


def _sc_scores(h, r, pos_t, neg_t, rel128, ent128):
    mesh = plsc.VectorSubcoreMesh(core_axis_name="c", subcore_axis_name="s")

    @functools.partial(
        pl.kernel,
        mesh=mesh,
        compiler_params=pltpu.CompilerParams(
            use_tc_tiling_on_sc=True, needs_layout_passes=False),
        out_type=(
            jax.ShapeDtypeStruct((B,), jnp.float32),
            jax.ShapeDtypeStruct((B,), jnp.float32),
        ),
        scratch_types=[
            pltpu.VMEM((CH,), jnp.int32),
            pltpu.VMEM((CH,), jnp.int32),
            pltpu.VMEM((CH,), jnp.int32),
            pltpu.VMEM((CH,), jnp.int32),
            pltpu.VMEM((CH,), jnp.int32),
            pltpu.VMEM((CH,), jnp.int32),
            pltpu.VMEM((CH,), jnp.int32),
            pltpu.VMEM((CH,), jnp.int32),
            pltpu.VMEM((CH,), jnp.int32),
            pltpu.VMEM((CH,), jnp.int32),
            pltpu.VMEM((CH,), jnp.int32),
            pltpu.VMEM((CH,), jnp.int32),
            pltpu.VMEM((CH,), jnp.int32),
            pltpu.VMEM((CH,), jnp.int32),
            pltpu.VMEM((CH, 128), jnp.float32),
            pltpu.VMEM((CH, 128), jnp.float32),
            pltpu.VMEM((CH, 128), jnp.float32),
            pltpu.VMEM((CH, 128), jnp.float32),
            pltpu.VMEM((CH, 128), jnp.float32),
            pltpu.VMEM((CH, 128), jnp.float32),
            pltpu.VMEM((64, 128), jnp.float32),
            pltpu.VMEM((CH,), jnp.float32),
            pltpu.VMEM((CH,), jnp.float32),
            pltpu.SemaphoreType.DMA,
            pltpu.SemaphoreType.DMA,
        ],
    )
    def body(h_hbm, r_hbm, pos_hbm, neg_hbm, rel_hbm, ent_hbm,
             pos_out, neg_out,
             hidx0, ridx0, pidx0, nidx0, hidx1, ridx1, pidx1, nidx1,
             hp0, pp0, np0, hp1, pp1, np1,
             hrow0, prow0, nrow0, hrow1, prow1, nrow1,
             relv, psc, nsc, sem0, sem1):
        wid = lax.axis_index("s") * NC + lax.axis_index("c")
        base = wid * PER_W
        sets = [
            (hidx0, ridx0, pidx0, nidx0, hp0, pp0, np0,
             hrow0, prow0, nrow0, sem0),
            (hidx1, ridx1, pidx1, nidx1, hp1, pp1, np1,
             hrow1, prow1, nrow1, sem1),
        ]

        pltpu.sync_copy(rel_hbm, relv)

        def stage(c, s):
            (hidx, ridx, pidx, nidx, hp, pp, np_,
             hrow, prow, nrow, sem) = sets[s]
            off = base + c * CH
            pltpu.sync_copy(h_hbm.at[pl.ds(off, CH)], hidx)
            pltpu.sync_copy(r_hbm.at[pl.ds(off, CH)], ridx)
            pltpu.sync_copy(pos_hbm.at[pl.ds(off, CH)], pidx)
            pltpu.sync_copy(neg_hbm.at[pl.ds(off, CH)], nidx)

            def pack(j, c2):
                sl = pl.ds(j * 16, 16)
                hv = hidx[sl]
                pv = pidx[sl]
                nv = nidx[sl]
                hp[sl] = jnp.where(hv < HALF, hv, hv - HALF)
                pp[sl] = jnp.where(pv < HALF, pv, pv - HALF)
                np_[sl] = jnp.where(nv < HALF, nv, nv - HALF)
                return c2

            lax.fori_loop(0, CH // 16, pack, 0)
            return (pltpu.async_copy(ent_hbm.at[hp], hrow, sem),
                    pltpu.async_copy(ent_hbm.at[pp], prow, sem),
                    pltpu.async_copy(ent_hbm.at[np_], nrow, sem))

        def compute(c, s, cps):
            (hidx, ridx, pidx, nidx, hp, pp, np_,
             hrow, prow, nrow, sem) = sets[s]
            for cp in cps:
                cp.wait()
            lane = lax.iota(jnp.int32, 16)

            def group(g, c2):
                sl = pl.ds(g * 16, 16)
                el = g * 16 + lane
                hb = jnp.where(hidx[sl] < HALF, 0, 64)
                pb = jnp.where(pidx[sl] < HALF, 0, 64)
                nb = jnp.where(nidx[sl] < HALF, 0, 64)
                rl = ridx[sl]

                def dim(d, accs):
                    accp, accn = accs
                    hv = plsc.load_gather(hrow, [el, hb + d])
                    rv = plsc.load_gather(relv, [rl, hb * 0 + d])
                    pv = plsc.load_gather(prow, [el, pb + d])
                    nv = plsc.load_gather(nrow, [el, nb + d])
                    hr = hv + rv
                    return (accp + hr * pv, accn + hr * nv)

                accp, accn = lax.fori_loop(
                    0, D, dim,
                    (jnp.zeros((16,), jnp.float32), jnp.zeros((16,), jnp.float32)))
                psc[sl] = accp
                nsc[sl] = accn
                return c2

            lax.fori_loop(0, CH // 16, group, 0)
            off = base + c * CH
            pltpu.sync_copy(psc, pos_out.at[pl.ds(off, CH)])
            pltpu.sync_copy(nsc, neg_out.at[pl.ds(off, CH)])

        cps = stage(0, 0)
        for c in range(NCHUNK):
            nxt = None
            if c + 1 < NCHUNK:
                nxt = stage(c + 1, (c + 1) % 2)
            compute(c, c % 2, cps)
            cps = nxt

    return body(h, r, pos_t, neg_t, rel128, ent128)


def _tc_loss(pos_s, neg_s):
    def body(p_ref, n_ref, o_ref):
        def lsig(x):
            return jnp.minimum(x, 0.0) - jnp.log1p(jnp.exp(-jnp.abs(x)))

        tot = jnp.sum(lsig(n_ref[...]) - lsig(p_ref[...]))
        o_ref[...] = (tot * (1.0 / B)).reshape(1, 1)

    return pl.pallas_call(
        body,
        out_shape=jax.ShapeDtypeStruct((1, 1), jnp.float32),
    )(pos_s.reshape(128, 128), neg_s.reshape(128, 128))


def kernel(h, r, pos_t, neg_t, relation_embed, entity_user_embed):
    ent128 = _tc_transpose(entity_user_embed.T)
    rel128 = jnp.concatenate([relation_embed, relation_embed], axis=1)
    pos_s, neg_s = _sc_scores(h.astype(jnp.int32), r.astype(jnp.int32),
                              pos_t.astype(jnp.int32), neg_t.astype(jnp.int32),
                              rel128, ent128)
    return _tc_loss(pos_s, neg_s).reshape(())

# --- scband reference (transcript-rebuilt; emitter-appended) ---
"""Pipeline reference for scband-ecfkg-33870112096704 (READ-ONLY COPY).

The authoritative reference and input builder live on the scoring server;
editing this copy changes nothing except your own understanding.
"""

import jax, jax.numpy as jnp
import numpy as np

N_USERS = 100000
N_ENTITIES = 1000000
N_RELATIONS = 64
EMBED_DIM = 64
BATCH = 16384


def setup_inputs(seed: int = 0) -> dict:
    key = jax.random.key(seed)
    k1, k2, k3, k4, k5, k6 = jax.random.split(key, 6)
    h = jax.random.randint(k1, (BATCH,), 0, N_ENTITIES + N_USERS, dtype=jnp.int64 if jax.config.jax_enable_x64 else jnp.int32)
    r = jax.random.randint(k2, (BATCH,), 0, N_RELATIONS, dtype=jnp.int64 if jax.config.jax_enable_x64 else jnp.int32)
    pos_t = jax.random.randint(k3, (BATCH,), 0, N_ENTITIES + N_USERS, dtype=jnp.int64 if jax.config.jax_enable_x64 else jnp.int32)
    neg_t = jax.random.randint(k4, (BATCH,), 0, N_ENTITIES + N_USERS, dtype=jnp.int64 if jax.config.jax_enable_x64 else jnp.int32)
    # learned parameters (nn.Embedding default init ~ N(0,1))
    relation_embed = jax.random.normal(k5, (N_RELATIONS, EMBED_DIM), dtype=jnp.float32)
    entity_user_embed = jax.random.normal(k6, (N_ENTITIES + N_USERS, EMBED_DIM), dtype=jnp.float32)
    return {"h": h, "r": r, "pos_t": pos_t, "neg_t": neg_t,
            "relation_embed": relation_embed, "entity_user_embed": entity_user_embed}


def reference(h, r, pos_t, neg_t, relation_embed, entity_user_embed):
    # faithful translation of ECFKG.calc_loss
    r_embed = jnp.take(relation_embed, r, axis=0)            # (B, d)
    h_embed = jnp.take(entity_user_embed, h, axis=0)         # (B, d)
    pos_t_embed = jnp.take(entity_user_embed, pos_t, axis=0)  # (B, d)
    neg_t_embed = jnp.take(entity_user_embed, neg_t, axis=0)  # (B, d)
    pos_score = jax.nn.log_sigmoid(jnp.sum((h_embed + r_embed) * pos_t_embed, axis=1, keepdims=True))
    neg_score = jax.nn.log_sigmoid(jnp.sum((h_embed + r_embed) * neg_t_embed, axis=1, keepdims=True))
    kg_loss = neg_score - pos_score
    kg_loss = jnp.mean(kg_loss)
    return kg_loss

if __name__ == "__main__":
    import jax
    _d = setup_inputs()
    print(jax.jit(kernel)(*tuple(_d.values())))

</pallas_src>

<mosaic_0001>
#map = affine_map<(d0, d1) -> (0)>
#map1 = affine_map<(d0, d1) -> (0, 0)>
module attributes {stable_mosaic.version = 14 : i64} {
  func.func @body(%arg0: i32, %arg1: i32, %arg2: memref<16384xi32, #tpu.memory_space<hbm>>, %arg3: memref<16384xi32, #tpu.memory_space<hbm>>, %arg4: memref<16384xi32, #tpu.memory_space<hbm>>, %arg5: memref<16384xi32, #tpu.memory_space<hbm>>, %arg6: memref<64x128xf32, #tpu.memory_space<hbm>>, %arg7: memref<557056x128xf32, #tpu.memory_space<hbm>>, %arg8: memref<16384xf32, #tpu.memory_space<hbm>>, %arg9: memref<16384xf32, #tpu.memory_space<hbm>>, %arg10: memref<128xi32, #tpu.memory_space<vmem>>, %arg11: memref<128xi32, #tpu.memory_space<vmem>>, %arg12: memref<128xi32, #tpu.memory_space<vmem>>, %arg13: memref<128xi32, #tpu.memory_space<vmem>>, %arg14: memref<128xi32, #tpu.memory_space<vmem>>, %arg15: memref<128xi32, #tpu.memory_space<vmem>>, %arg16: memref<128xi32, #tpu.memory_space<vmem>>, %arg17: memref<128xi32, #tpu.memory_space<vmem>>, %arg18: memref<128xi32, #tpu.memory_space<vmem>>, %arg19: memref<128xi32, #tpu.memory_space<vmem>>, %arg20: memref<128xi32, #tpu.memory_space<vmem>>, %arg21: memref<128xi32, #tpu.memory_space<vmem>>, %arg22: memref<128xi32, #tpu.memory_space<vmem>>, %arg23: memref<128xi32, #tpu.memory_space<vmem>>, %arg24: memref<128x128xf32, #tpu.memory_space<vmem>>, %arg25: memref<128x128xf32, #tpu.memory_space<vmem>>, %arg26: memref<128x128xf32, #tpu.memory_space<vmem>>, %arg27: memref<128x128xf32, #tpu.memory_space<vmem>>, %arg28: memref<128x128xf32, #tpu.memory_space<vmem>>, %arg29: memref<128x128xf32, #tpu.memory_space<vmem>>, %arg30: memref<64x128xf32, #tpu.memory_space<vmem>>, %arg31: memref<128xf32, #tpu.memory_space<vmem>>, %arg32: memref<128xf32, #tpu.memory_space<vmem>>, %arg33: memref<!tpu.dma_semaphore, #tpu.memory_space<semaphore_mem>>, %arg34: memref<!tpu.dma_semaphore, #tpu.memory_space<semaphore_mem>>) attributes {dimension_semantics = [#tpu.dimension_semantics<core_parallel>, #tpu.dimension_semantics<subcore_parallel>], iteration_bounds = array<i64: 2, 16>, scalar_prefetch = 0 : i64, scratch_operands = 25 : i64, tpu.core_type = #tpu.core_type<sc_vector_subcore>, window_params = [{transform_indices = #map}, {transform_indices = #map}, {transform_indices = #map}, {transform_indices = #map}, {transform_indices = #map1}, {transform_indices = #map1}, {transform_indices = #map}, {transform_indices = #map}]} {
    %mul3A = arith.constant 2 : i32
    %mul3A_0 = arith.muli %arg1, %mul3A : i32
    %add3A = arith.addi %mul3A_0, %arg0 : i32
    %mul3A_1 = arith.constant 512 : i32
    %mul3A_2 = arith.muli %add3A, %mul3A_1 : i32
    "tpu.region"() ({
      %run_scoped3A = tpu.sem_alloc : memref<!tpu.dma_semaphore, #tpu.memory_space<semaphore_mem>>
      tpu.enqueue_dma source(%arg6 : memref<64x128xf32, #tpu.memory_space<hbm>>) target(%arg30 : memref<64x128xf32, #tpu.memory_space<vmem>>) target_semaphore(%run_scoped3A : memref<!tpu.dma_semaphore, #tpu.memory_space<semaphore_mem>>)
      tpu.wait_dma2 semaphore(%run_scoped3A : memref<!tpu.dma_semaphore, #tpu.memory_space<semaphore_mem>>) src(%arg6 : memref<64x128xf32, #tpu.memory_space<hbm>>) dst(%arg30 : memref<64x128xf32, #tpu.memory_space<vmem>>)
      tpu.yield
    }) : () -> ()
    %add3A_3 = arith.constant 0 : i32
    %add3A_4 = arith.addi %mul3A_2, %add3A_3 : i32
    "tpu.region"() ({
      %run_scoped3A = tpu.sem_alloc : memref<!tpu.dma_semaphore, #tpu.memory_space<semaphore_mem>>
      %dma_start3A_139 = tpu.memref_slice %arg2[%add3A_4] : memref<16384xi32, #tpu.memory_space<hbm>> -> memref<128xi32, #tpu.memory_space<hbm>>
      %dma_start3A_140 = tpu.memref_slice %arg2[%add3A_4] : memref<16384xi32, #tpu.memory_space<hbm>> -> memref<128xi32, #tpu.memory_space<hbm>>
      tpu.enqueue_dma source(%dma_start3A_140 : memref<128xi32, #tpu.memory_space<hbm>>) target(%arg10 : memref<128xi32, #tpu.memory_space<vmem>>) target_semaphore(%run_scoped3A : memref<!tpu.dma_semaphore, #tpu.memory_space<semaphore_mem>>)
      %dma_wait3A_141 = tpu.memref_slice %arg2[%add3A_4] : memref<16384xi32, #tpu.memory_space<hbm>> -> memref<128xi32, #tpu.memory_space<hbm>>
      %dma_wait3A_142 = tpu.memref_slice %arg2[%add3A_4] : memref<16384xi32, #tpu.memory_space<hbm>> -> memref<128xi32, #tpu.memory_space<hbm>>
      tpu.wait_dma2 semaphore(%run_scoped3A : memref<!tpu.dma_semaphore, #tpu.memory_space<semaphore_mem>>) src(%dma_wait3A_142 : memref<128xi32, #tpu.memory_space<hbm>>) dst(%arg10 : memref<128xi32, #tpu.memory_space<vmem>>)
      tpu.yield
    }) : () -> ()
    "tpu.region"() ({
      %run_scoped3A = tpu.sem_alloc : memref<!tpu.dma_semaphore, #tpu.memory_space<semaphore_mem>>
      %dma_start3A_139 = tpu.memref_slice %arg3[%add3A_4] : memref<16384xi32, #tpu.memory_space<hbm>> -> memref<128xi32, #tpu.memory_space<hbm>>
      %dma_start3A_140 = tpu.memref_slice %arg3[%add3A_4] : memref<16384xi32, #tpu.memory_space<hbm>> -> memref<128xi32, #tpu.memory_space<hbm>>
      tpu.enqueue_dma source(%dma_start3A_140 : memref<128xi32, #tpu.memory_space<hbm>>) target(%arg11 : memref<128xi32, #tpu.memory_space<vmem>>) target_semaphore(%run_scoped3A : memref<!tpu.dma_semaphore, #tpu.memory_space<semaphore_mem>>)
      %dma_wait3A_141 = tpu.memref_slice %arg3[%add3A_4] : memref<16384xi32, #tpu.memory_space<hbm>> -> memref<128xi32, #tpu.memory_space<hbm>>
      %dma_wait3A_142 = tpu.memref_slice %arg3[%add3A_4] : memref<16384xi32, #tpu.memory_space<hbm>> -> memref<128xi32, #tpu.memory_space<hbm>>
      tpu.wait_dma2 semaphore(%run_scoped3A : memref<!tpu.dma_semaphore, #tpu.memory_space<semaphore_mem>>) src(%dma_wait3A_142 : memref<128xi32, #tpu.memory_space<hbm>>) dst(%arg11 : memref<128xi32, #tpu.memory_space<vmem>>)
      tpu.yield
    }) : () -> ()
    "tpu.region"() ({
      %run_scoped3A = tpu.sem_alloc : memref<!tpu.dma_semaphore, #tpu.memory_space<semaphore_mem>>
      %dma_start3A_139 = tpu.memref_slice %arg4[%add3A_4] : memref<16384xi32, #tpu.memory_space<hbm>> -> memref<128xi32, #tpu.memory_space<hbm>>
      %dma_start3A_140 = tpu.memref_slice %arg4[%add3A_4] : memref<16384xi32, #tpu.memory_space<hbm>> -> memref<128xi32, #tpu.memory_space<hbm>>
      tpu.enqueue_dma source(%dma_start3A_140 : memref<128xi32, #tpu.memory_space<hbm>>) target(%arg12 : memref<128xi32, #tpu.memory_space<vmem>>) target_semaphore(%run_scoped3A : memref<!tpu.dma_semaphore, #tpu.memory_space<semaphore_mem>>)
      %dma_wait3A_141 = tpu.memref_slice %arg4[%add3A_4] : memref<16384xi32, #tpu.memory_space<hbm>> -> memref<128xi32, #tpu.memory_space<hbm>>
      %dma_wait3A_142 = tpu.memref_slice %arg4[%add3A_4] : memref<16384xi32, #tpu.memory_space<hbm>> -> memref<128xi32, #tpu.memory_space<hbm>>
      tpu.wait_dma2 semaphore(%run_scoped3A : memref<!tpu.dma_semaphore, #tpu.memory_space<semaphore_mem>>) src(%dma_wait3A_142 : memref<128xi32, #tpu.memory_space<hbm>>) dst(%arg12 : memref<128xi32, #tpu.memory_space<vmem>>)
      tpu.yield
    }) : () -> ()
    "tpu.region"() ({
      %run_scoped3A = tpu.sem_alloc : memref<!tpu.dma_semaphore, #tpu.memory_space<semaphore_mem>>
      %dma_start3A_139 = tpu.memref_slice %arg5[%add3A_4] : memref<16384xi32, #tpu.memory_space<hbm>> -> memref<128xi32, #tpu.memory_space<hbm>>
      %dma_start3A_140 = tpu.memref_slice %arg5[%add3A_4] : memref<16384xi32, #tpu.memory_space<hbm>> -> memref<128xi32, #tpu.memory_space<hbm>>
      tpu.enqueue_dma source(%dma_start3A_140 : memref<128xi32, #tpu.memory_space<hbm>>) target(%arg13 : memref<128xi32, #tpu.memory_space<vmem>>) target_semaphore(%run_scoped3A : memref<!tpu.dma_semaphore, #tpu.memory_space<semaphore_mem>>)
      %dma_wait3A_141 = tpu.memref_slice %arg5[%add3A_4] : memref<16384xi32, #tpu.memory_space<hbm>> -> memref<128xi32, #tpu.memory_space<hbm>>
      %dma_wait3A_142 = tpu.memref_slice %arg5[%add3A_4] : memref<16384xi32, #tpu.memory_space<hbm>> -> memref<128xi32, #tpu.memory_space<hbm>>
      tpu.wait_dma2 semaphore(%run_scoped3A : memref<!tpu.dma_semaphore, #tpu.memory_space<semaphore_mem>>) src(%dma_wait3A_142 : memref<128xi32, #tpu.memory_space<hbm>>) dst(%arg13 : memref<128xi32, #tpu.memory_space<vmem>>)
      tpu.yield
    }) : () -> ()
    %scan3A = arith.constant 0 : i32
    %scan3A_5 = arith.constant 0 : i32
    %scan3A_6 = arith.constant 8 : i32
    %scan3A_7 = arith.addi %scan3A_5, %scan3A_6 : i32
    %scan3A_8 = arith.constant 1 : i32
    scf.for %scan3A_139 = %scan3A_5 to %scan3A_7 step %scan3A_8  : i32 {
      %mul3A_140 = arith.constant 16 : i32
      %mul3A_141 = arith.muli %scan3A_139, %mul3A_140 : i32
      %get3A = arith.index_cast %mul3A_141 : i32 to index
      %get3A_142 = tpu.vector_load %arg10[%get3A] {strides = array<i32>} : memref<128xi32, #tpu.memory_space<vmem>>, vector<16xi32>,
      %get3A_143 = arith.index_cast %mul3A_141 : i32 to index
      %get3A_144 = tpu.vector_load %arg12[%get3A_143] {strides = array<i32>} : memref<128xi32, #tpu.memory_space<vmem>>, vector<16xi32>,
      %get3A_145 = arith.index_cast %mul3A_141 : i32 to index
      %get3A_146 = tpu.vector_load %arg13[%get3A_145] {strides = array<i32>} : memref<128xi32, #tpu.memory_space<vmem>>, vector<16xi32>,
      %lt3A = arith.constant 557056 : i32
      %lt3A_147 = vector.broadcast %lt3A : i32 to vector<16xi32>
      %lt3A_148 = arith.cmpi slt, %get3A_142, %lt3A_147 : vector<16xi32>
      %sub3A = arith.constant 557056 : i32
      %sub3A_149 = vector.broadcast %sub3A : i32 to vector<16xi32>
      %sub3A_150 = arith.subi %get3A_142, %sub3A_149 : vector<16xi32>
      %select_n3A = arith.select %lt3A_148, %get3A_142, %sub3A_150 : vector<16xi1>, vector<16xi32>
      %swap3A = arith.index_cast %mul3A_141 : i32 to index
      %swap3A_151 = tpu.vector_load %arg18[%swap3A] {strides = array<i32>} : memref<128xi32, #tpu.memory_space<vmem>>, vector<16xi32>,
      tpu.vector_store %arg18[%swap3A], %select_n3A {strides = array<i32>} : memref<128xi32, #tpu.memory_space<vmem>>, vector<16xi32>,
      %lt3A_152 = arith.constant 557056 : i32
      %lt3A_153 = vector.broadcast %lt3A_152 : i32 to vector<16xi32>
      %lt3A_154 = arith.cmpi slt, %get3A_144, %lt3A_153 : vector<16xi32>
      %sub3A_155 = arith.constant 557056 : i32
      %sub3A_156 = vector.broadcast %sub3A_155 : i32 to vector<16xi32>
      %sub3A_157 = arith.subi %get3A_144, %sub3A_156 : vector<16xi32>
      %select_n3A_158 = arith.select %lt3A_154, %get3A_144, %sub3A_157 : vector<16xi1>, vector<16xi32>
      %swap3A_159 = arith.index_cast %mul3A_141 : i32 to index
      %swap3A_160 = tpu.vector_load %arg19[%swap3A_159] {strides = array<i32>} : memref<128xi32, #tpu.memory_space<vmem>>, vector<16xi32>,
      tpu.vector_store %arg19[%swap3A_159], %select_n3A_158 {strides = array<i32>} : memref<128xi32, #tpu.memory_space<vmem>>, vector<16xi32>,
      %lt3A_161 = arith.constant 557056 : i32
      %lt3A_162 = vector.broadcast %lt3A_161 : i32 to vector<16xi32>
      %lt3A_163 = arith.cmpi slt, %get3A_146, %lt3A_162 : vector<16xi32>
      %sub3A_164 = arith.constant 557056 : i32
      %sub3A_165 = vector.broadcast %sub3A_164 : i32 to vector<16xi32>
      %sub3A_166 = arith.subi %get3A_146, %sub3A_165 : vector<16xi32>
      %select_n3A_167 = arith.select %lt3A_163, %get3A_146, %sub3A_166 : vector<16xi1>, vector<16xi32>
      %swap3A_168 = arith.index_cast %mul3A_141 : i32 to index
      %swap3A_169 = tpu.vector_load %arg20[%swap3A_168] {strides = array<i32>} : memref<128xi32, #tpu.memory_space<vmem>>, vector<16xi32>,
      tpu.vector_store %arg20[%swap3A_168], %select_n3A_167 {strides = array<i32>} : memref<128xi32, #tpu.memory_space<vmem>>, vector<16xi32>,
    }
    %scan3A_9 = arith.constant 8 : i32
    %dma_start3A = arith.constant 0 : i32
    %dma_start3A_10 = arith.constant 0 : i32
    %dma_start3A_11 = tpu.memref_slice %arg7[%dma_start3A, %dma_start3A_10] : memref<557056x128xf32, #tpu.memory_space<hbm>> -> memref<557056x128xf32, #tpu.memory_space<hbm>>
    tpu.enqueue_indirect_dma source(%dma_start3A_11 : memref<557056x128xf32, #tpu.memory_space<hbm>>) target(%arg24 : memref<128x128xf32, #tpu.memory_space<vmem>>) offsets(%arg18 : memref<128xi32, #tpu.memory_space<vmem>>) semaphore(%arg33 : memref<!tpu.dma_semaphore, #tpu.memory_space<semaphore_mem>>)
    %dma_start3A_12 = arith.constant 0 : i32
    %dma_start3A_13 = arith.constant 0 : i32
    %dma_start3A_14 = tpu.memref_slice %arg7[%dma_start3A_12, %dma_start3A_13] : memref<557056x128xf32, #tpu.memory_space<hbm>> -> memref<557056x128xf32, #tpu.memory_space<hbm>>
    tpu.enqueue_indirect_dma source(%dma_start3A_14 : memref<557056x128xf32, #tpu.memory_space<hbm>>) target(%arg25 : memref<128x128xf32, #tpu.memory_space<vmem>>) offsets(%arg19 : memref<128xi32, #tpu.memory_space<vmem>>) semaphore(%arg33 : memref<!tpu.dma_semaphore, #tpu.memory_space<semaphore_mem>>)
    %dma_start3A_15 = arith.constant 0 : i32
    %dma_start3A_16 = arith.constant 0 : i32
    %dma_start3A_17 = tpu.memref_slice %arg7[%dma_start3A_15, %dma_start3A_16] : memref<557056x128xf32, #tpu.memory_space<hbm>> -> memref<557056x128xf32, #tpu.memory_space<hbm>>
    tpu.enqueue_indirect_dma source(%dma_start3A_17 : memref<557056x128xf32, #tpu.memory_space<hbm>>) target(%arg26 : memref<128x128xf32, #tpu.memory_space<vmem>>) offsets(%arg20 : memref<128xi32, #tpu.memory_space<vmem>>) semaphore(%arg33 : memref<!tpu.dma_semaphore, #tpu.memory_space<semaphore_mem>>)
    %add3A_18 = arith.constant 128 : i32
    %add3A_19 = arith.addi %mul3A_2, %add3A_18 : i32
    "tpu.region"() ({
      %run_scoped3A = tpu.sem_alloc : memref<!tpu.dma_semaphore, #tpu.memory_space<semaphore_mem>>
      %dma_start3A_139 = tpu.memref_slice %arg2[%add3A_19] : memref<16384xi32, #tpu.memory_space<hbm>> -> memref<128xi32, #tpu.memory_space<hbm>>
      %dma_start3A_140 = tpu.memref_slice %arg2[%add3A_19] : memref<16384xi32, #tpu.memory_space<hbm>> -> memref<128xi32, #tpu.memory_space<hbm>>
      tpu.enqueue_dma source(%dma_start3A_140 : memref<128xi32, #tpu.memory_space<hbm>>) target(%arg14 : memref<128xi32, #tpu.memory_space<vmem>>) target_semaphore(%run_scoped3A : memref<!tpu.dma_semaphore, #tpu.memory_space<semaphore_mem>>)
      %dma_wait3A_141 = tpu.memref_slice %arg2[%add3A_19] : memref<16384xi32, #tpu.memory_space<hbm>> -> memref<128xi32, #tpu.memory_space<hbm>>
      %dma_wait3A_142 = tpu.memref_slice %arg2[%add3A_19] : memref<16384xi32, #tpu.memory_space<hbm>> -> memref<128xi32, #tpu.memory_space<hbm>>
      tpu.wait_dma2 semaphore(%run_scoped3A : memref<!tpu.dma_semaphore, #tpu.memory_space<semaphore_mem>>) src(%dma_wait3A_142 : memref<128xi32, #tpu.memory_space<hbm>>) dst(%arg14 : memref<128xi32, #tpu.memory_space<vmem>>)
      tpu.yield
    }) : () -> ()
    "tpu.region"() ({
      %run_scoped3A = tpu.sem_alloc : memref<!tpu.dma_semaphore, #tpu.memory_space<semaphore_mem>>
      %dma_start3A_139 = tpu.memref_slice %arg3[%add3A_19] : memref<16384xi32, #tpu.memory_space<hbm>> -> memref<128xi32, #tpu.memory_space<hbm>>
      %dma_start3A_140 = tpu.memref_slice %arg3[%add3A_19] : memref<16384xi32, #tpu.memory_space<hbm>> -> memref<128xi32, #tpu.memory_space<hbm>>
      tpu.enqueue_dma source(%dma_start3A_140 : memref<128xi32, #tpu.memory_space<hbm>>) target(%arg15 : memref<128xi32, #tpu.memory_space<vmem>>) target_semaphore(%run_scoped3A : memref<!tpu.dma_semaphore, #tpu.memory_space<semaphore_mem>>)
      %dma_wait3A_141 = tpu.memref_slice %arg3[%add3A_19] : memref<16384xi32, #tpu.memory_space<hbm>> -> memref<128xi32, #tpu.memory_space<hbm>>
      %dma_wait3A_142 = tpu.memref_slice %arg3[%add3A_19] : memref<16384xi32, #tpu.memory_space<hbm>> -> memref<128xi32, #tpu.memory_space<hbm>>
      tpu.wait_dma2 semaphore(%run_scoped3A : memref<!tpu.dma_semaphore, #tpu.memory_space<semaphore_mem>>) src(%dma_wait3A_142 : memref<128xi32, #tpu.memory_space<hbm>>) dst(%arg15 : memref<128xi32, #tpu.memory_space<vmem>>)
      tpu.yield
    }) : () -> ()
    "tpu.region"() ({
      %run_scoped3A = tpu.sem_alloc : memref<!tpu.dma_semaphore, #tpu.memory_space<semaphore_mem>>
      %dma_start3A_139 = tpu.memref_slice %arg4[%add3A_19] : memref<16384xi32, #tpu.memory_space<hbm>> -> memref<128xi32, #tpu.memory_space<hbm>>
      %dma_start3A_140 = tpu.memref_slice %arg4[%add3A_19] : memref<16384xi32, #tpu.memory_space<hbm>> -> memref<128xi32, #tpu.memory_space<hbm>>
      tpu.enqueue_dma source(%dma_start3A_140 : memref<128xi32, #tpu.memory_space<hbm>>) target(%arg16 : memref<128xi32, #tpu.memory_space<vmem>>) target_semaphore(%run_scoped3A : memref<!tpu.dma_semaphore, #tpu.memory_space<semaphore_mem>>)
      %dma_wait3A_141 = tpu.memref_slice %arg4[%add3A_19] : memref<16384xi32, #tpu.memory_space<hbm>> -> memref<128xi32, #tpu.memory_space<hbm>>
      %dma_wait3A_142 = tpu.memref_slice %arg4[%add3A_19] : memref<16384xi32, #tpu.memory_space<hbm>> -> memref<128xi32, #tpu.memory_space<hbm>>
      tpu.wait_dma2 semaphore(%run_scoped3A : memref<!tpu.dma_semaphore, #tpu.memory_space<semaphore_mem>>) src(%dma_wait3A_142 : memref<128xi32, #tpu.memory_space<hbm>>) dst(%arg16 : memref<128xi32, #tpu.memory_space<vmem>>)
      tpu.yield
    }) : () -> ()
    "tpu.region"() ({
      %run_scoped3A = tpu.sem_alloc : memref<!tpu.dma_semaphore, #tpu.memory_space<semaphore_mem>>
      %dma_start3A_139 = tpu.memref_slice %arg5[%add3A_19] : memref<16384xi32, #tpu.memory_space<hbm>> -> memref<128xi32, #tpu.memory_space<hbm>>
      %dma_start3A_140 = tpu.memref_slice %arg5[%add3A_19] : memref<16384xi32, #tpu.memory_space<hbm>> -> memref<128xi32, #tpu.memory_space<hbm>>
      tpu.enqueue_dma source(%dma_start3A_140 : memref<128xi32, #tpu.memory_space<hbm>>) target(%arg17 : memref<128xi32, #tpu.memory_space<vmem>>) target_semaphore(%run_scoped3A : memref<!tpu.dma_semaphore, #tpu.memory_space<semaphore_mem>>)
      %dma_wait3A_141 = tpu.memref_slice %arg5[%add3A_19] : memref<16384xi32, #tpu.memory_space<hbm>> -> memref<128xi32, #tpu.memory_space<hbm>>
      %dma_wait3A_142 = tpu.memref_slice %arg5[%add3A_19] : memref<16384xi32, #tpu.memory_space<hbm>> -> memref<128xi32, #tpu.memory_space<hbm>>
      tpu.wait_dma2 semaphore(%run_scoped3A : memref<!tpu.dma_semaphore, #tpu.memory_space<semaphore_mem>>) src(%dma_wait3A_142 : memref<128xi32, #tpu.memory_space<hbm>>) dst(%arg17 : memref<128xi32, #tpu.memory_space<vmem>>)
      tpu.yield
    }) : () -> ()
    %scan3A_20 = arith.constant 0 : i32
    %scan3A_21 = arith.constant 0 : i32
    %scan3A_22 = arith.constant 8 : i32
    %scan3A_23 = arith.addi %scan3A_21, %scan3A_22 : i32
    %scan3A_24 = arith.constant 1 : i32
    scf.for %scan3A_139 = %scan3A_21 to %scan3A_23 step %scan3A_24  : i32 {
      %mul3A_140 = arith.constant 16 : i32
      %mul3A_141 = arith.muli %scan3A_139, %mul3A_140 : i32
      %get3A = arith.index_cast %mul3A_141 : i32 to index
      %get3A_142 = tpu.vector_load %arg14[%get3A] {strides = array<i32>} : memref<128xi32, #tpu.memory_space<vmem>>, vector<16xi32>,
      %get3A_143 = arith.index_cast %mul3A_141 : i32 to index
      %get3A_144 = tpu.vector_load %arg16[%get3A_143] {strides = array<i32>} : memref<128xi32, #tpu.memory_space<vmem>>, vector<16xi32>,
      %get3A_145 = arith.index_cast %mul3A_141 : i32 to index
      %get3A_146 = tpu.vector_load %arg17[%get3A_145] {strides = array<i32>} : memref<128xi32, #tpu.memory_space<vmem>>, vector<16xi32>,
      %lt3A = arith.constant 557056 : i32
      %lt3A_147 = vector.broadcast %lt3A : i32 to vector<16xi32>
      %lt3A_148 = arith.cmpi slt, %get3A_142, %lt3A_147 : vector<16xi32>
      %sub3A = arith.constant 557056 : i32
      %sub3A_149 = vector.broadcast %sub3A : i32 to vector<16xi32>
      %sub3A_150 = arith.subi %get3A_142, %sub3A_149 : vector<16xi32>
      %select_n3A = arith.select %lt3A_148, %get3A_142, %sub3A_150 : vector<16xi1>, vector<16xi32>
      %swap3A = arith.index_cast %mul3A_141 : i32 to index
      %swap3A_151 = tpu.vector_load %arg21[%swap3A] {strides = array<i32>} : memref<128xi32, #tpu.memory_space<vmem>>, vector<16xi32>,
      tpu.vector_store %arg21[%swap3A], %select_n3A {strides = array<i32>} : memref<128xi32, #tpu.memory_space<vmem>>, vector<16xi32>,
      %lt3A_152 = arith.constant 557056 : i32
      %lt3A_153 = vector.broadcast %lt3A_152 : i32 to vector<16xi32>
      %lt3A_154 = arith.cmpi slt, %get3A_144, %lt3A_153 : vector<16xi32>
      %sub3A_155 = arith.constant 557056 : i32
      %sub3A_156 = vector.broadcast %sub3A_155 : i32 to vector<16xi32>
      %sub3A_157 = arith.subi %get3A_144, %sub3A_156 : vector<16xi32>
      %select_n3A_158 = arith.select %lt3A_154, %get3A_144, %sub3A_157 : vector<16xi1>, vector<16xi32>
      %swap3A_159 = arith.index_cast %mul3A_141 : i32 to index
      %swap3A_160 = tpu.vector_load %arg22[%swap3A_159] {strides = array<i32>} : memref<128xi32, #tpu.memory_space<vmem>>, vector<16xi32>,
      tpu.vector_store %arg22[%swap3A_159], %select_n3A_158 {strides = array<i32>} : memref<128xi32, #tpu.memory_space<vmem>>, vector<16xi32>,
      %lt3A_161 = arith.constant 557056 : i32
      %lt3A_162 = vector.broadcast %lt3A_161 : i32 to vector<16xi32>
      %lt3A_163 = arith.cmpi slt, %get3A_146, %lt3A_162 : vector<16xi32>
      %sub3A_164 = arith.constant 557056 : i32
      %sub3A_165 = vector.broadcast %sub3A_164 : i32 to vector<16xi32>
      %sub3A_166 = arith.subi %get3A_146, %sub3A_165 : vector<16xi32>
      %select_n3A_167 = arith.select %lt3A_163, %get3A_146, %sub3A_166 : vector<16xi1>, vector<16xi32>
      %swap3A_168 = arith.index_cast %mul3A_141 : i32 to index
      %swap3A_169 = tpu.vector_load %arg23[%swap3A_168] {strides = array<i32>} : memref<128xi32, #tpu.memory_space<vmem>>, vector<16xi32>,
      tpu.vector_store %arg23[%swap3A_168], %select_n3A_167 {strides = array<i32>} : memref<128xi32, #tpu.memory_space<vmem>>, vector<16xi32>,
    }
    %scan3A_25 = arith.constant 8 : i32
    %dma_start3A_26 = arith.constant 0 : i32
    %dma_start3A_27 = arith.constant 0 : i32
    %dma_start3A_28 = tpu.memref_slice %arg7[%dma_start3A_26, %dma_start3A_27] : memref<557056x128xf32, #tpu.memory_space<hbm>> -> memref<557056x128xf32, #tpu.memory_space<hbm>>
    tpu.enqueue_indirect_dma source(%dma_start3A_28 : memref<557056x128xf32, #tpu.memory_space<hbm>>) target(%arg27 : memref<128x128xf32, #tpu.memory_space<vmem>>) offsets(%arg21 : memref<128xi32, #tpu.memory_space<vmem>>) semaphore(%arg34 : memref<!tpu.dma_semaphore, #tpu.memory_space<semaphore_mem>>)
    %dma_start3A_29 = arith.constant 0 : i32
    %dma_start3A_30 = arith.constant 0 : i32
    %dma_start3A_31 = tpu.memref_slice %arg7[%dma_start3A_29, %dma_start3A_30] : memref<557056x128xf32, #tpu.memory_space<hbm>> -> memref<557056x128xf32, #tpu.memory_space<hbm>>
    tpu.enqueue_indirect_dma source(%dma_start3A_31 : memref<557056x128xf32, #tpu.memory_space<hbm>>) target(%arg28 : memref<128x128xf32, #tpu.memory_space<vmem>>) offsets(%arg22 : memref<128xi32, #tpu.memory_space<vmem>>) semaphore(%arg34 : memref<!tpu.dma_semaphore, #tpu.memory_space<semaphore_mem>>)
    %dma_start3A_32 = arith.constant 0 : i32
    %dma_start3A_33 = arith.constant 0 : i32
    %dma_start3A_34 = tpu.memref_slice %arg7[%dma_start3A_32, %dma_start3A_33] : memref<557056x128xf32, #tpu.memory_space<hbm>> -> memref<557056x128xf32, #tpu.memory_space<hbm>>
    tpu.enqueue_indirect_dma source(%dma_start3A_34 : memref<557056x128xf32, #tpu.memory_space<hbm>>) target(%arg29 : memref<128x128xf32, #tpu.memory_space<vmem>>) offsets(%arg23 : memref<128xi32, #tpu.memory_space<vmem>>) semaphore(%arg34 : memref<!tpu.dma_semaphore, #tpu.memory_space<semaphore_mem>>)
    %dma_wait3A = arith.constant 0 : i32
    %dma_wait3A_35 = arith.constant 0 : i32
    %dma_wait3A_36 = tpu.memref_slice %arg7[%dma_wait3A, %dma_wait3A_35] : memref<557056x128xf32, #tpu.memory_space<hbm>> -> memref<557056x128xf32, #tpu.memory_space<hbm>>
    tpu.wait_indirect_dma semaphore(%arg33 : memref<!tpu.dma_semaphore, #tpu.memory_space<semaphore_mem>>) src(%dma_wait3A_36 : memref<557056x128xf32, #tpu.memory_space<hbm>>) dst(%arg24 : memref<128x128xf32, #tpu.memory_space<vmem>>)
    %dma_wait3A_37 = arith.constant 0 : i32
    %dma_wait3A_38 = arith.constant 0 : i32
    %dma_wait3A_39 = tpu.memref_slice %arg7[%dma_wait3A_37, %dma_wait3A_38] : memref<557056x128xf32, #tpu.memory_space<hbm>> -> memref<557056x128xf32, #tpu.memory_space<hbm>>
    tpu.wait_indirect_dma semaphore(%arg33 : memref<!tpu.dma_semaphore, #tpu.memory_space<semaphore_mem>>) src(%dma_wait3A_39 : memref<557056x128xf32, #tpu.memory_space<hbm>>) dst(%arg25 : memref<128x128xf32, #tpu.memory_space<vmem>>)
    %dma_wait3A_40 = arith.constant 0 : i32
    %dma_wait3A_41 = arith.constant 0 : i32
    %dma_wait3A_42 = tpu.memref_slice %arg7[%dma_wait3A_40, %dma_wait3A_41] : memref<557056x128xf32, #tpu.memory_space<hbm>> -> memref<557056x128xf32, #tpu.memory_space<hbm>>
    tpu.wait_indirect_dma semaphore(%arg33 : memref<!tpu.dma_semaphore, #tpu.memory_space<semaphore_mem>>) src(%dma_wait3A_42 : memref<557056x128xf32, #tpu.memory_space<hbm>>) dst(%arg26 : memref<128x128xf32, #tpu.memory_space<vmem>>)
    %iota3A = tpu.iota {dimensions = array<i32: 0>} : vector<16xi32>
    %scan3A_43 = arith.constant 0 : i32
    %scan3A_44 = arith.constant 0 : i32
    %scan3A_45 = arith.constant 8 : i32
    %scan3A_46 = arith.addi %scan3A_44, %scan3A_45 : i32
    %scan3A_47 = arith.constant 1 : i32
    scf.for %scan3A_139 = %scan3A_44 to %scan3A_46 step %scan3A_47  : i32 {
      %mul3A_140 = arith.constant 16 : i32
      %mul3A_141 = arith.muli %scan3A_139, %mul3A_140 : i32
      %mul3A_142 = arith.constant 16 : i32
      %mul3A_143 = arith.muli %scan3A_139, %mul3A_142 : i32
      %add3A_144 = vector.broadcast %mul3A_143 : i32 to vector<16xi32>
      %add3A_145 = arith.addi %add3A_144, %iota3A : vector<16xi32>
      %get3A = arith.index_cast %mul3A_141 : i32 to index
      %get3A_146 = tpu.vector_load %arg10[%get3A] {strides = array<i32>} : memref<128xi32, #tpu.memory_space<vmem>>, vector<16xi32>,
      %lt3A = arith.constant 557056 : i32
      %lt3A_147 = vector.broadcast %lt3A : i32 to vector<16xi32>
      %lt3A_148 = arith.cmpi slt, %get3A_146, %lt3A_147 : vector<16xi32>
      %jit3A = arith.constant 0 : i32
      %jit3A_149 = arith.constant 64 : i32
      %broadcast_in_dim3A = vector.broadcast %jit3A : i32 to vector<16xi32>
      %broadcast_in_dim3A_150 = vector.broadcast %jit3A_149 : i32 to vector<16xi32>
      %select_n3A = arith.select %lt3A_148, %broadcast_in_dim3A, %broadcast_in_dim3A_150 : vector<16xi1>, vector<16xi32>
      %get3A_151 = arith.index_cast %mul3A_141 : i32 to index
      %get3A_152 = tpu.vector_load %arg12[%get3A_151] {strides = array<i32>} : memref<128xi32, #tpu.memory_space<vmem>>, vector<16xi32>,
      %lt3A_153 = arith.constant 557056 : i32
      %lt3A_154 = vector.broadcast %lt3A_153 : i32 to vector<16xi32>
      %lt3A_155 = arith.cmpi slt, %get3A_152, %lt3A_154 : vector<16xi32>
      %jit3A_156 = arith.constant 0 : i32
      %jit3A_157 = arith.constant 64 : i32
      %broadcast_in_dim3A_158 = vector.broadcast %jit3A_156 : i32 to vector<16xi32>
      %broadcast_in_dim3A_159 = vector.broadcast %jit3A_157 : i32 to vector<16xi32>
      %select_n3A_160 = arith.select %lt3A_155, %broadcast_in_dim3A_158, %broadcast_in_dim3A_159 : vector<16xi1>, vector<16xi32>
      %get3A_161 = arith.index_cast %mul3A_141 : i32 to index
      %get3A_162 = tpu.vector_load %arg13[%get3A_161] {strides = array<i32>} : memref<128xi32, #tpu.memory_space<vmem>>, vector<16xi32>,
      %lt3A_163 = arith.constant 557056 : i32
      %lt3A_164 = vector.broadcast %lt3A_163 : i32 to vector<16xi32>
      %lt3A_165 = arith.cmpi slt, %get3A_162, %lt3A_164 : vector<16xi32>
      %jit3A_166 = arith.constant 0 : i32
      %jit3A_167 = arith.constant 64 : i32
      %broadcast_in_dim3A_168 = vector.broadcast %jit3A_166 : i32 to vector<16xi32>
      %broadcast_in_dim3A_169 = vector.broadcast %jit3A_167 : i32 to vector<16xi32>
      %select_n3A_170 = arith.select %lt3A_165, %broadcast_in_dim3A_168, %broadcast_in_dim3A_169 : vector<16xi1>, vector<16xi32>
      %get3A_171 = arith.index_cast %mul3A_141 : i32 to index
      %get3A_172 = tpu.vector_load %arg11[%get3A_171] {strides = array<i32>} : memref<128xi32, #tpu.memory_space<vmem>>, vector<16xi32>,
      %broadcast_in_dim3A_173 = arith.constant 0.000000e+00 : f32
      %broadcast_in_dim3A_174 = vector.broadcast %broadcast_in_dim3A_173 : f32 to vector<16xf32>
      %broadcast_in_dim3A_175 = arith.constant 0.000000e+00 : f32
      %broadcast_in_dim3A_176 = vector.broadcast %broadcast_in_dim3A_175 : f32 to vector<16xf32>
      %scan3A_177 = arith.constant 0 : i32
      %scan3A_178 = arith.constant 64 : i32
      %scan3A_179 = arith.addi %scan3A_177, %scan3A_178 : i32
      %scan3A_180 = arith.constant 1 : i32
      %scan3A_181:2 = scf.for %scan3A_186 = %scan3A_177 to %scan3A_179 step %scan3A_180 iter_args(%scan3A_187 = %broadcast_in_dim3A_174, %scan3A_188 = %broadcast_in_dim3A_176) -> (vector<16xf32>, vector<16xf32>)  : i32 {
        %add3A_189 = vector.broadcast %scan3A_186 : i32 to vector<16xi32>
        %add3A_190 = arith.addi %select_n3A, %add3A_189 : vector<16xi32>
        %gather3A = tpu.vector_load_idx %arg24[%add3A_145, %add3A_190] : memref<128x128xf32, #tpu.memory_space<vmem>>[vector<16xi32>, vector<16xi32>], vector<16xf32>,
        %mul3A_191 = arith.constant 0 : i32
        %mul3A_192 = vector.broadcast %mul3A_191 : i32 to vector<16xi32>
        %mul3A_193 = arith.muli %select_n3A, %mul3A_192 : vector<16xi32>
        %add3A_194 = vector.broadcast %scan3A_186 : i32 to vector<16xi32>
        %add3A_195 = arith.addi %mul3A_193, %add3A_194 : vector<16xi32>
        %gather3A_196 = tpu.vector_load_idx %arg30[%get3A_172, %add3A_195] : memref<64x128xf32, #tpu.memory_space<vmem>>[vector<16xi32>, vector<16xi32>], vector<16xf32>,
        %add3A_197 = vector.broadcast %scan3A_186 : i32 to vector<16xi32>
        %add3A_198 = arith.addi %select_n3A_160, %add3A_197 : vector<16xi32>
        %gather3A_199 = tpu.vector_load_idx %arg25[%add3A_145, %add3A_198] : memref<128x128xf32, #tpu.memory_space<vmem>>[vector<16xi32>, vector<16xi32>], vector<16xf32>,
        %add3A_200 = vector.broadcast %scan3A_186 : i32 to vector<16xi32>
        %add3A_201 = arith.addi %select_n3A_170, %add3A_200 : vector<16xi32>
        %gather3A_202 = tpu.vector_load_idx %arg26[%add3A_145, %add3A_201] : memref<128x128xf32, #tpu.memory_space<vmem>>[vector<16xi32>, vector<16xi32>], vector<16xf32>,
        %add3A_203 = arith.addf %gather3A, %gather3A_196 : vector<16xf32>
        %mul3A_204 = arith.mulf %add3A_203, %gather3A_199 : vector<16xf32>
        %add3A_205 = arith.addf %scan3A_187, %mul3A_204 : vector<16xf32>
        %mul3A_206 = arith.mulf %add3A_203, %gather3A_202 : vector<16xf32>
        %add3A_207 = arith.addf %scan3A_188, %mul3A_206 : vector<16xf32>
        scf.yield %add3A_205, %add3A_207 : vector<16xf32>, vector<16xf32>
      }
      %scan3A_182 = arith.constant 64 : i32
      %swap3A = arith.index_cast %mul3A_141 : i32 to index
      %swap3A_183 = tpu.vector_load %arg31[%swap3A] {strides = array<i32>} : memref<128xf32, #tpu.memory_space<vmem>>, vector<16xf32>,
      tpu.vector_store %arg31[%swap3A], %scan3A_181#0 {strides = array<i32>} : memref<128xf32, #tpu.memory_space<vmem>>, vector<16xf32>,
      %swap3A_184 = arith.index_cast %mul3A_141 : i32 to index
      %swap3A_185 = tpu.vector_load %arg32[%swap3A_184] {strides = array<i32>} : memref<128xf32, #tpu.memory_space<vmem>>, vector<16xf32>,
      tpu.vector_store %arg32[%swap3A_184], %scan3A_181#1 {strides = array<i32>} : memref<128xf32, #tpu.memory_space<vmem>>, vector<16xf32>,
    }
    %scan3A_48 = arith.constant 8 : i32
    %add3A_49 = arith.constant 0 : i32
    %add3A_50 = arith.addi %mul3A_2, %add3A_49 : i32
    "tpu.region"() ({
      %run_scoped3A = tpu.sem_alloc : memref<!tpu.dma_semaphore, #tpu.memory_space<semaphore_mem>>
      %dma_start3A_139 = tpu.memref_slice %arg8[%add3A_50] : memref<16384xf32, #tpu.memory_space<hbm>> -> memref<128xf32, #tpu.memory_space<hbm>>
      %dma_start3A_140 = tpu.memref_slice %arg8[%add3A_50] : memref<16384xf32, #tpu.memory_space<hbm>> -> memref<128xf32, #tpu.memory_space<hbm>>
      tpu.enqueue_dma source(%arg31 : memref<128xf32, #tpu.memory_space<vmem>>) target(%dma_start3A_140 : memref<128xf32, #tpu.memory_space<hbm>>) target_semaphore(%run_scoped3A : memref<!tpu.dma_semaphore, #tpu.memory_space<semaphore_mem>>)
      %dma_wait3A_141 = tpu.memref_slice %arg8[%add3A_50] : memref<16384xf32, #tpu.memory_space<hbm>> -> memref<128xf32, #tpu.memory_space<hbm>>
      %dma_wait3A_142 = tpu.memref_slice %arg8[%add3A_50] : memref<16384xf32, #tpu.memory_space<hbm>> -> memref<128xf32, #tpu.memory_space<hbm>>
      tpu.wait_dma2 semaphore(%run_scoped3A : memref<!tpu.dma_semaphore, #tpu.memory_space<semaphore_mem>>) src(%arg31 : memref<128xf32, #tpu.memory_space<vmem>>) dst(%dma_wait3A_142 : memref<128xf32, #tpu.memory_space<hbm>>)
      tpu.yield
    }) : () -> ()
    "tpu.region"() ({
      %run_scoped3A = tpu.sem_alloc : memref<!tpu.dma_semaphore, #tpu.memory_space<semaphore_mem>>
      %dma_start3A_139 = tpu.memref_slice %arg9[%add3A_50] : memref<16384xf32, #tpu.memory_space<hbm>> -> memref<128xf32, #tpu.memory_space<hbm>>
      %dma_start3A_140 = tpu.memref_slice %arg9[%add3A_50] : memref<16384xf32, #tpu.memory_space<hbm>> -> memref<128xf32, #tpu.memory_space<hbm>>
      tpu.enqueue_dma source(%arg32 : memref<128xf32, #tpu.memory_space<vmem>>) target(%dma_start3A_140 : memref<128xf32, #tpu.memory_space<hbm>>) target_semaphore(%run_scoped3A : memref<!tpu.dma_semaphore, #tpu.memory_space<semaphore_mem>>)
      %dma_wait3A_141 = tpu.memref_slice %arg9[%add3A_50] : memref<16384xf32, #tpu.memory_space<hbm>> -> memref<128xf32, #tpu.memory_space<hbm>>
      %dma_wait3A_142 = tpu.memref_slice %arg9[%add3A_50] : memref<16384xf32, #tpu.memory_space<hbm>> -> memref<128xf32, #tpu.memory_space<hbm>>
      tpu.wait_dma2 semaphore(%run_scoped3A : memref<!tpu.dma_semaphore, #tpu.memory_space<semaphore_mem>>) src(%arg32 : memref<128xf32, #tpu.memory_space<vmem>>) dst(%dma_wait3A_142 : memref<128xf32, #tpu.memory_space<hbm>>)
      tpu.yield
    }) : () -> ()
    %add3A_51 = arith.constant 256 : i32
    %add3A_52 = arith.addi %mul3A_2, %add3A_51 : i32
    "tpu.region"() ({
      %run_scoped3A = tpu.sem_alloc : memref<!tpu.dma_semaphore, #tpu.memory_space<semaphore_mem>>
      %dma_start3A_139 = tpu.memref_slice %arg2[%add3A_52] : memref<16384xi32, #tpu.memory_space<hbm>> -> memref<128xi32, #tpu.memory_space<hbm>>
      %dma_start3A_140 = tpu.memref_slice %arg2[%add3A_52] : memref<16384xi32, #tpu.memory_space<hbm>> -> memref<128xi32, #tpu.memory_space<hbm>>
      tpu.enqueue_dma source(%dma_start3A_140 : memref<128xi32, #tpu.memory_space<hbm>>) target(%arg10 : memref<128xi32, #tpu.memory_space<vmem>>) target_semaphore(%run_scoped3A : memref<!tpu.dma_semaphore, #tpu.memory_space<semaphore_mem>>)
      %dma_wait3A_141 = tpu.memref_slice %arg2[%add3A_52] : memref<16384xi32, #tpu.memory_space<hbm>> -> memref<128xi32, #tpu.memory_space<hbm>>
      %dma_wait3A_142 = tpu.memref_slice %arg2[%add3A_52] : memref<16384xi32, #tpu.memory_space<hbm>> -> memref<128xi32, #tpu.memory_space<hbm>>
      tpu.wait_dma2 semaphore(%run_scoped3A : memref<!tpu.dma_semaphore, #tpu.memory_space<semaphore_mem>>) src(%dma_wait3A_142 : memref<128xi32, #tpu.memory_space<hbm>>) dst(%arg10 : memref<128xi32, #tpu.memory_space<vmem>>)
      tpu.yield
    }) : () -> ()
    "tpu.region"() ({
      %run_scoped3A = tpu.sem_alloc : memref<!tpu.dma_semaphore, #tpu.memory_space<semaphore_mem>>
      %dma_start3A_139 = tpu.memref_slice %arg3[%add3A_52] : memref<16384xi32, #tpu.memory_space<hbm>> -> memref<128xi32, #tpu.memory_space<hbm>>
      %dma_start3A_140 = tpu.memref_slice %arg3[%add3A_52] : memref<16384xi32, #tpu.memory_space<hbm>> -> memref<128xi32, #tpu.memory_space<hbm>>
      tpu.enqueue_dma source(%dma_start3A_140 : memref<128xi32, #tpu.memory_space<hbm>>) target(%arg11 : memref<128xi32, #tpu.memory_space<vmem>>) target_semaphore(%run_scoped3A : memref<!tpu.dma_semaphore, #tpu.memory_space<semaphore_mem>>)
      %dma_wait3A_141 = tpu.memref_slice %arg3[%add3A_52] : memref<16384xi32, #tpu.memory_space<hbm>> -> memref<128xi32, #tpu.memory_space<hbm>>
      %dma_wait3A_142 = tpu.memref_slice %arg3[%add3A_52] : memref<16384xi32, #tpu.memory_space<hbm>> -> memref<128xi32, #tpu.memory_space<hbm>>
      tpu.wait_dma2 semaphore(%run_scoped3A : memref<!tpu.dma_semaphore, #tpu.memory_space<semaphore_mem>>) src(%dma_wait3A_142 : memref<128xi32, #tpu.memory_space<hbm>>) dst(%arg11 : memref<128xi32, #tpu.memory_space<vmem>>)
      tpu.yield
    }) : () -> ()
    "tpu.region"() ({
      %run_scoped3A = tpu.sem_alloc : memref<!tpu.dma_semaphore, #tpu.memory_space<semaphore_mem>>
      %dma_start3A_139 = tpu.memref_slice %arg4[%add3A_52] : memref<16384xi32, #tpu.memory_space<hbm>> -> memref<128xi32, #tpu.memory_space<hbm>>
      %dma_start3A_140 = tpu.memref_slice %arg4[%add3A_52] : memref<16384xi32, #tpu.memory_space<hbm>> -> memref<128xi32, #tpu.memory_space<hbm>>
      tpu.enqueue_dma source(%dma_start3A_140 : memref<128xi32, #tpu.memory_space<hbm>>) target(%arg12 : memref<128xi32, #tpu.memory_space<vmem>>) target_semaphore(%run_scoped3A : memref<!tpu.dma_semaphore, #tpu.memory_space<semaphore_mem>>)
      %dma_wait3A_141 = tpu.memref_slice %arg4[%add3A_52] : memref<16384xi32, #tpu.memory_space<hbm>> -> memref<128xi32, #tpu.memory_space<hbm>>
      %dma_wait3A_142 = tpu.memref_slice %arg4[%add3A_52] : memref<16384xi32, #tpu.memory_space<hbm>> -> memref<128xi32, #tpu.memory_space<hbm>>
      tpu.wait_dma2 semaphore(%run_scoped3A : memref<!tpu.dma_semaphore, #tpu.memory_space<semaphore_mem>>) src(%dma_wait3A_142 : memref<128xi32, #tpu.memory_space<hbm>>) dst(%arg12 : memref<128xi32, #tpu.memory_space<vmem>>)
      tpu.yield
    }) : () -> ()
    "tpu.region"() ({
      %run_scoped3A = tpu.sem_alloc : memref<!tpu.dma_semaphore, #tpu.memory_space<semaphore_mem>>
      %dma_start3A_139 = tpu.memref_slice %arg5[%add3A_52] : memref<16384xi32, #tpu.memory_space<hbm>> -> memref<128xi32, #tpu.memory_space<hbm>>
      %dma_start3A_140 = tpu.memref_slice %arg5[%add3A_52] : memref<16384xi32, #tpu.memory_space<hbm>> -> memref<128xi32, #tpu.memory_space<hbm>>
      tpu.enqueue_dma source(%dma_start3A_140 : memref<128xi32, #tpu.memory_space<hbm>>) target(%arg13 : memref<128xi32, #tpu.memory_space<vmem>>) target_semaphore(%run_scoped3A : memref<!tpu.dma_semaphore, #tpu.memory_space<semaphore_mem>>)
      %dma_wait3A_141 = tpu.memref_slice %arg5[%add3A_52] : memref<16384xi32, #tpu.memory_space<hbm>> -> memref<128xi32, #tpu.memory_space<hbm>>
      %dma_wait3A_142 = tpu.memref_slice %arg5[%add3A_52] : memref<16384xi32, #tpu.memory_space<hbm>> -> memref<128xi32, #tpu.memory_space<hbm>>
      tpu.wait_dma2 semaphore(%run_scoped3A : memref<!tpu.dma_semaphore, #tpu.memory_space<semaphore_mem>>) src(%dma_wait3A_142 : memref<128xi32, #tpu.memory_space<hbm>>) dst(%arg13 : memref<128xi32, #tpu.memory_space<vmem>>)
      tpu.yield
    }) : () -> ()
    %scan3A_53 = arith.constant 0 : i32
    %scan3A_54 = arith.constant 0 : i32
    %scan3A_55 = arith.constant 8 : i32
    %scan3A_56 = arith.addi %scan3A_54, %scan3A_55 : i32
    %scan3A_57 = arith.constant 1 : i32
    scf.for %scan3A_139 = %scan3A_54 to %scan3A_56 step %scan3A_57  : i32 {
      %mul3A_140 = arith.constant 16 : i32
      %mul3A_141 = arith.muli %scan3A_139, %mul3A_140 : i32
      %get3A = arith.index_cast %mul3A_141 : i32 to index
      %get3A_142 = tpu.vector_load %arg10[%get3A] {strides = array<i32>} : memref<128xi32, #tpu.memory_space<vmem>>, vector<16xi32>,
      %get3A_143 = arith.index_cast %mul3A_141 : i32 to index
      %get3A_144 = tpu.vector_load %arg12[%get3A_143] {strides = array<i32>} : memref<128xi32, #tpu.memory_space<vmem>>, vector<16xi32>,
      %get3A_145 = arith.index_cast %mul3A_141 : i32 to index
      %get3A_146 = tpu.vector_load %arg13[%get3A_145] {strides = array<i32>} : memref<128xi32, #tpu.memory_space<vmem>>, vector<16xi32>,
      %lt3A = arith.constant 557056 : i32
      %lt3A_147 = vector.broadcast %lt3A : i32 to vector<16xi32>
      %lt3A_148 = arith.cmpi slt, %get3A_142, %lt3A_147 : vector<16xi32>
      %sub3A = arith.constant 557056 : i32
      %sub3A_149 = vector.broadcast %sub3A : i32 to vector<16xi32>
      %sub3A_150 = arith.subi %get3A_142, %sub3A_149 : vector<16xi32>
      %select_n3A = arith.select %lt3A_148, %get3A_142, %sub3A_150 : vector<16xi1>, vector<16xi32>
      %swap3A = arith.index_cast %mul3A_141 : i32 to index
      %swap3A_151 = tpu.vector_load %arg18[%swap3A] {strides = array<i32>} : memref<128xi32, #tpu.memory_space<vmem>>, vector<16xi32>,
      tpu.vector_store %arg18[%swap3A], %select_n3A {strides = array<i32>} : memref<128xi32, #tpu.memory_space<vmem>>, vector<16xi32>,
      %lt3A_152 = arith.constant 557056 : i32
      %lt3A_153 = vector.broadcast %lt3A_152 : i32 to vector<16xi32>
      %lt3A_154 = arith.cmpi slt, %get3A_144, %lt3A_153 : vector<16xi32>
      %sub3A_155 = arith.constant 557056 : i32
      %sub3A_156 = vector.broadcast %sub3A_155 : i32 to vector<16xi32>
      %sub3A_157 = arith.subi %get3A_144, %sub3A_156 : vector<16xi32>
      %select_n3A_158 = arith.select %lt3A_154, %get3A_144, %sub3A_157 : vector<16xi1>, vector<16xi32>
      %swap3A_159 = arith.index_cast %mul3A_141 : i32 to index
      %swap3A_160 = tpu.vector_load %arg19[%swap3A_159] {strides = array<i32>} : memref<128xi32, #tpu.memory_space<vmem>>, vector<16xi32>,
      tpu.vector_store %arg19[%swap3A_159], %select_n3A_158 {strides = array<i32>} : memref<128xi32, #tpu.memory_space<vmem>>, vector<16xi32>,
      %lt3A_161 = arith.constant 557056 : i32
      %lt3A_162 = vector.broadcast %lt3A_161 : i32 to vector<16xi32>
      %lt3A_163 = arith.cmpi slt, %get3A_146, %lt3A_162 : vector<16xi32>
      %sub3A_164 = arith.constant 557056 : i32
      %sub3A_165 = vector.broadcast %sub3A_164 : i32 to vector<16xi32>
      %sub3A_166 = arith.subi %get3A_146, %sub3A_165 : vector<16xi32>
      %select_n3A_167 = arith.select %lt3A_163, %get3A_146, %sub3A_166 : vector<16xi1>, vector<16xi32>
      %swap3A_168 = arith.index_cast %mul3A_141 : i32 to index
      %swap3A_169 = tpu.vector_load %arg20[%swap3A_168] {strides = array<i32>} : memref<128xi32, #tpu.memory_space<vmem>>, vector<16xi32>,
      tpu.vector_store %arg20[%swap3A_168], %select_n3A_167 {strides = array<i32>} : memref<128xi32, #tpu.memory_space<vmem>>, vector<16xi32>,
    }
    %scan3A_58 = arith.constant 8 : i32
    %dma_start3A_59 = arith.constant 0 : i32
    %dma_start3A_60 = arith.constant 0 : i32
    %dma_start3A_61 = tpu.memref_slice %arg7[%dma_start3A_59, %dma_start3A_60] : memref<557056x128xf32, #tpu.memory_space<hbm>> -> memref<557056x128xf32, #tpu.memory_space<hbm>>
    tpu.enqueue_indirect_dma source(%dma_start3A_61 : memref<557056x128xf32, #tpu.memory_space<hbm>>) target(%arg24 : memref<128x128xf32, #tpu.memory_space<vmem>>) offsets(%arg18 : memref<128xi32, #tpu.memory_space<vmem>>) semaphore(%arg33 : memref<!tpu.dma_semaphore, #tpu.memory_space<semaphore_mem>>)
    %dma_start3A_62 = arith.constant 0 : i32
    %dma_start3A_63 = arith.constant 0 : i32
    %dma_start3A_64 = tpu.memref_slice %arg7[%dma_start3A_62, %dma_start3A_63] : memref<557056x128xf32, #tpu.memory_space<hbm>> -> memref<557056x128xf32, #tpu.memory_space<hbm>>
    tpu.enqueue_indirect_dma source(%dma_start3A_64 : memref<557056x128xf32, #tpu.memory_space<hbm>>) target(%arg25 : memref<128x128xf32, #tpu.memory_space<vmem>>) offsets(%arg19 : memref<128xi32, #tpu.memory_space<vmem>>) semaphore(%arg33 : memref<!tpu.dma_semaphore, #tpu.memory_space<semaphore_mem>>)
    %dma_start3A_65 = arith.constant 0 : i32
    %dma_start3A_66 = arith.constant 0 : i32
    %dma_start3A_67 = tpu.memref_slice %arg7[%dma_start3A_65, %dma_start3A_66] : memref<557056x128xf32, #tpu.memory_space<hbm>> -> memref<557056x128xf32, #tpu.memory_space<hbm>>
    tpu.enqueue_indirect_dma source(%dma_start3A_67 : memref<557056x128xf32, #tpu.memory_space<hbm>>) target(%arg26 : memref<128x128xf32, #tpu.memory_space<vmem>>) offsets(%arg20 : memref<128xi32, #tpu.memory_space<vmem>>) semaphore(%arg33 : memref<!tpu.dma_semaphore, #tpu.memory_space<semaphore_mem>>)
    %dma_wait3A_68 = arith.constant 0 : i32
    %dma_wait3A_69 = arith.constant 0 : i32
    %dma_wait3A_70 = tpu.memref_slice %arg7[%dma_wait3A_68, %dma_wait3A_69] : memref<557056x128xf32, #tpu.memory_space<hbm>> -> memref<557056x128xf32, #tpu.memory_space<hbm>>
    tpu.wait_indirect_dma semaphore(%arg34 : memref<!tpu.dma_semaphore, #tpu.memory_space<semaphore_mem>>) src(%dma_wait3A_70 : memref<557056x128xf32, #tpu.memory_space<hbm>>) dst(%arg27 : memref<128x128xf32, #tpu.memory_space<vmem>>)
    %dma_wait3A_71 = arith.constant 0 : i32
    %dma_wait3A_72 = arith.constant 0 : i32
    %dma_wait3A_73 = tpu.memref_slice %arg7[%dma_wait3A_71, %dma_wait3A_72] : memref<557056x128xf32, #tpu.memory_space<hbm>> -> memref<557056x128xf32, #tpu.memory_space<hbm>>
    tpu.wait_indirect_dma semaphore(%arg34 : memref<!tpu.dma_semaphore, #tpu.memory_space<semaphore_mem>>) src(%dma_wait3A_73 : memref<557056x128xf32, #tpu.memory_space<hbm>>) dst(%arg28 : memref<128x128xf32, #tpu.memory_space<vmem>>)
    %dma_wait3A_74 = arith.constant 0 : i32
    %dma_wait3A_75 = arith.constant 0 : i32
    %dma_wait3A_76 = tpu.memref_slice %arg7[%dma_wait3A_74, %dma_wait3A_75] : memref<557056x128xf32, #tpu.memory_space<hbm>> -> memref<557056x128xf32, #tpu.memory_space<hbm>>
    tpu.wait_indirect_dma semaphore(%arg34 : memref<!tpu.dma_semaphore, #tpu.memory_space<semaphore_mem>>) src(%dma_wait3A_76 : memref<557056x128xf32, #tpu.memory_space<hbm>>) dst(%arg29 : memref<128x128xf32, #tpu.memory_space<vmem>>)
    %iota3A_77 = tpu.iota {dimensions = array<i32: 0>} : vector<16xi32>
    %scan3A_78 = arith.constant 0 : i32
    %scan3A_79 = arith.constant 0 : i32
    %scan3A_80 = arith.constant 8 : i32
    %scan3A_81 = arith.addi %scan3A_79, %scan3A_80 : i32
    %scan3A_82 = arith.constant 1 : i32
    scf.for %scan3A_139 = %scan3A_79 to %scan3A_81 step %scan3A_82  : i32 {
      %mul3A_140 = arith.constant 16 : i32
      %mul3A_141 = arith.muli %scan3A_139, %mul3A_140 : i32
      %mul3A_142 = arith.constant 16 : i32
      %mul3A_143 = arith.muli %scan3A_139, %mul3A_142 : i32
      %add3A_144 = vector.broadcast %mul3A_143 : i32 to vector<16xi32>
      %add3A_145 = arith.addi %add3A_144, %iota3A_77 : vector<16xi32>
      %get3A = arith.index_cast %mul3A_141 : i32 to index
      %get3A_146 = tpu.vector_load %arg14[%get3A] {strides = array<i32>} : memref<128xi32, #tpu.memory_space<vmem>>, vector<16xi32>,
      %lt3A = arith.constant 557056 : i32
      %lt3A_147 = vector.broadcast %lt3A : i32 to vector<16xi32>
      %lt3A_148 = arith.cmpi slt, %get3A_146, %lt3A_147 : vector<16xi32>
      %jit3A = arith.constant 0 : i32
      %jit3A_149 = arith.constant 64 : i32
      %broadcast_in_dim3A = vector.broadcast %jit3A : i32 to vector<16xi32>
      %broadcast_in_dim3A_150 = vector.broadcast %jit3A_149 : i32 to vector<16xi32>
      %select_n3A = arith.select %lt3A_148, %broadcast_in_dim3A, %broadcast_in_dim3A_150 : vector<16xi1>, vector<16xi32>
      %get3A_151 = arith.index_cast %mul3A_141 : i32 to index
      %get3A_152 = tpu.vector_load %arg16[%get3A_151] {strides = array<i32>} : memref<128xi32, #tpu.memory_space<vmem>>, vector<16xi32>,
      %lt3A_153 = arith.constant 557056 : i32
      %lt3A_154 = vector.broadcast %lt3A_153 : i32 to vector<16xi32>
      %lt3A_155 = arith.cmpi slt, %get3A_152, %lt3A_154 : vector<16xi32>
      %jit3A_156 = arith.constant 0 : i32
      %jit3A_157 = arith.constant 64 : i32
      %broadcast_in_dim3A_158 = vector.broadcast %jit3A_156 : i32 to vector<16xi32>
      %broadcast_in_dim3A_159 = vector.broadcast %jit3A_157 : i32 to vector<16xi32>
      %select_n3A_160 = arith.select %lt3A_155, %broadcast_in_dim3A_158, %broadcast_in_dim3A_159 : vector<16xi1>, vector<16xi32>
      %get3A_161 = arith.index_cast %mul3A_141 : i32 to index
      %get3A_162 = tpu.vector_load %arg17[%get3A_161] {strides = array<i32>} : memref<128xi32, #tpu.memory_space<vmem>>, vector<16xi32>,
      %lt3A_163 = arith.constant 557056 : i32
      %lt3A_164 = vector.broadcast %lt3A_163 : i32 to vector<16xi32>
      %lt3A_165 = arith.cmpi slt, %get3A_162, %lt3A_164 : vector<16xi32>
      %jit3A_166 = arith.constant 0 : i32
      %jit3A_167 = arith.constant 64 : i32
      %broadcast_in_dim3A_168 = vector.broadcast %jit3A_166 : i32 to vector<16xi32>
      %broadcast_in_dim3A_169 = vector.broadcast %jit3A_167 : i32 to vector<16xi32>
      %select_n3A_170 = arith.select %lt3A_165, %broadcast_in_dim3A_168, %broadcast_in_dim3A_169 : vector<16xi1>, vector<16xi32>
      %get3A_171 = arith.index_cast %mul3A_141 : i32 to index
      %get3A_172 = tpu.vector_load %arg15[%get3A_171] {strides = array<i32>} : memref<128xi32, #tpu.memory_space<vmem>>, vector<16xi32>,
      %broadcast_in_dim3A_173 = arith.constant 0.000000e+00 : f32
      %broadcast_in_dim3A_174 = vector.broadcast %broadcast_in_dim3A_173 : f32 to vector<16xf32>
      %broadcast_in_dim3A_175 = arith.constant 0.000000e+00 : f32
      %broadcast_in_dim3A_176 = vector.broadcast %broadcast_in_dim3A_175 : f32 to vector<16xf32>
      %scan3A_177 = arith.constant 0 : i32
      %scan3A_178 = arith.constant 64 : i32
      %scan3A_179 = arith.addi %scan3A_177, %scan3A_178 : i32
      %scan3A_180 = arith.constant 1 : i32
      %scan3A_181:2 = scf.for %scan3A_186 = %scan3A_177 to %scan3A_179 step %scan3A_180 iter_args(%scan3A_187 = %broadcast_in_dim3A_174, %scan3A_188 = %broadcast_in_dim3A_176) -> (vector<16xf32>, vector<16xf32>)  : i32 {
        %add3A_189 = vector.broadcast %scan3A_186 : i32 to vector<16xi32>
        %add3A_190 = arith.addi %select_n3A, %add3A_189 : vector<16xi32>
        %gather3A = tpu.vector_load_idx %arg27[%add3A_145, %add3A_190] : memref<128x128xf32, #tpu.memory_space<vmem>>[vector<16xi32>, vector<16xi32>], vector<16xf32>,
        %mul3A_191 = arith.constant 0 : i32
        %mul3A_192 = vector.broadcast %mul3A_191 : i32 to vector<16xi32>
        %mul3A_193 = arith.muli %select_n3A, %mul3A_192 : vector<16xi32>
        %add3A_194 = vector.broadcast %scan3A_186 : i32 to vector<16xi32>
        %add3A_195 = arith.addi %mul3A_193, %add3A_194 : vector<16xi32>
        %gather3A_196 = tpu.vector_load_idx %arg30[%get3A_172, %add3A_195] : memref<64x128xf32, #tpu.memory_space<vmem>>[vector<16xi32>, vector<16xi32>], vector<16xf32>,
        %add3A_197 = vector.broadcast %scan3A_186 : i32 to vector<16xi32>
        %add3A_198 = arith.addi %select_n3A_160, %add3A_197 : vector<16xi32>
        %gather3A_199 = tpu.vector_load_idx %arg28[%add3A_145, %add3A_198] : memref<128x128xf32, #tpu.memory_space<vmem>>[vector<16xi32>, vector<16xi32>], vector<16xf32>,
        %add3A_200 = vector.broadcast %scan3A_186 : i32 to vector<16xi32>
        %add3A_201 = arith.addi %select_n3A_170, %add3A_200 : vector<16xi32>
        %gather3A_202 = tpu.vector_load_idx %arg29[%add3A_145, %add3A_201] : memref<128x128xf32, #tpu.memory_space<vmem>>[vector<16xi32>, vector<16xi32>], vector<16xf32>,
        %add3A_203 = arith.addf %gather3A, %gather3A_196 : vector<16xf32>
        %mul3A_204 = arith.mulf %add3A_203, %gather3A_199 : vector<16xf32>
        %add3A_205 = arith.addf %scan3A_187, %mul3A_204 : vector<16xf32>
        %mul3A_206 = arith.mulf %add3A_203, %gather3A_202 : vector<16xf32>
        %add3A_207 = arith.addf %scan3A_188, %mul3A_206 : vector<16xf32>
        scf.yield %add3A_205, %add3A_207 : vector<16xf32>, vector<16xf32>
      }
      %scan3A_182 = arith.constant 64 : i32
      %swap3A = arith.index_cast %mul3A_141 : i32 to index
      %swap3A_183 = tpu.vector_load %arg31[%swap3A] {strides = array<i32>} : memref<128xf32, #tpu.memory_space<vmem>>, vector<16xf32>,
      tpu.vector_store %arg31[%swap3A], %scan3A_181#0 {strides = array<i32>} : memref<128xf32, #tpu.memory_space<vmem>>, vector<16xf32>,
      %swap3A_184 = arith.index_cast %mul3A_141 : i32 to index
      %swap3A_185 = tpu.vector_load %arg32[%swap3A_184] {strides = array<i32>} : memref<128xf32, #tpu.memory_space<vmem>>, vector<16xf32>,
      tpu.vector_store %arg32[%swap3A_184], %scan3A_181#1 {strides = array<i32>} : memref<128xf32, #tpu.memory_space<vmem>>, vector<16xf32>,
    }
    %scan3A_83 = arith.constant 8 : i32
    %add3A_84 = arith.constant 128 : i32
    %add3A_85 = arith.addi %mul3A_2, %add3A_84 : i32
    "tpu.region"() ({
      %run_scoped3A = tpu.sem_alloc : memref<!tpu.dma_semaphore, #tpu.memory_space<semaphore_mem>>
      %dma_start3A_139 = tpu.memref_slice %arg8[%add3A_85] : memref<16384xf32, #tpu.memory_space<hbm>> -> memref<128xf32, #tpu.memory_space<hbm>>
      %dma_start3A_140 = tpu.memref_slice %arg8[%add3A_85] : memref<16384xf32, #tpu.memory_space<hbm>> -> memref<128xf32, #tpu.memory_space<hbm>>
      tpu.enqueue_dma source(%arg31 : memref<128xf32, #tpu.memory_space<vmem>>) target(%dma_start3A_140 : memref<128xf32, #tpu.memory_space<hbm>>) target_semaphore(%run_scoped3A : memref<!tpu.dma_semaphore, #tpu.memory_space<semaphore_mem>>)
      %dma_wait3A_141 = tpu.memref_slice %arg8[%add3A_85] : memref<16384xf32, #tpu.memory_space<hbm>> -> memref<128xf32, #tpu.memory_space<hbm>>
      %dma_wait3A_142 = tpu.memref_slice %arg8[%add3A_85] : memref<16384xf32, #tpu.memory_space<hbm>> -> memref<128xf32, #tpu.memory_space<hbm>>
      tpu.wait_dma2 semaphore(%run_scoped3A : memref<!tpu.dma_semaphore, #tpu.memory_space<semaphore_mem>>) src(%arg31 : memref<128xf32, #tpu.memory_space<vmem>>) dst(%dma_wait3A_142 : memref<128xf32, #tpu.memory_space<hbm>>)
      tpu.yield
    }) : () -> ()
    "tpu.region"() ({
      %run_scoped3A = tpu.sem_alloc : memref<!tpu.dma_semaphore, #tpu.memory_space<semaphore_mem>>
      %dma_start3A_139 = tpu.memref_slice %arg9[%add3A_85] : memref<16384xf32, #tpu.memory_space<hbm>> -> memref<128xf32, #tpu.memory_space<hbm>>
      %dma_start3A_140 = tpu.memref_slice %arg9[%add3A_85] : memref<16384xf32, #tpu.memory_space<hbm>> -> memref<128xf32, #tpu.memory_space<hbm>>
      tpu.enqueue_dma source(%arg32 : memref<128xf32, #tpu.memory_space<vmem>>) target(%dma_start3A_140 : memref<128xf32, #tpu.memory_space<hbm>>) target_semaphore(%run_scoped3A : memref<!tpu.dma_semaphore, #tpu.memory_space<semaphore_mem>>)
      %dma_wait3A_141 = tpu.memref_slice %arg9[%add3A_85] : memref<16384xf32, #tpu.memory_space<hbm>> -> memref<128xf32, #tpu.memory_space<hbm>>
      %dma_wait3A_142 = tpu.memref_slice %arg9[%add3A_85] : memref<16384xf32, #tpu.memory_space<hbm>> -> memref<128xf32, #tpu.memory_space<hbm>>
      tpu.wait_dma2 semaphore(%run_scoped3A : memref<!tpu.dma_semaphore, #tpu.memory_space<semaphore_mem>>) src(%arg32 : memref<128xf32, #tpu.memory_space<vmem>>) dst(%dma_wait3A_142 : memref<128xf32, #tpu.memory_space<hbm>>)
      tpu.yield
    }) : () -> ()
    %add3A_86 = arith.constant 384 : i32
    %add3A_87 = arith.addi %mul3A_2, %add3A_86 : i32
    "tpu.region"() ({
      %run_scoped3A = tpu.sem_alloc : memref<!tpu.dma_semaphore, #tpu.memory_space<semaphore_mem>>
      %dma_start3A_139 = tpu.memref_slice %arg2[%add3A_87] : memref<16384xi32, #tpu.memory_space<hbm>> -> memref<128xi32, #tpu.memory_space<hbm>>
      %dma_start3A_140 = tpu.memref_slice %arg2[%add3A_87] : memref<16384xi32, #tpu.memory_space<hbm>> -> memref<128xi32, #tpu.memory_space<hbm>>
      tpu.enqueue_dma source(%dma_start3A_140 : memref<128xi32, #tpu.memory_space<hbm>>) target(%arg14 : memref<128xi32, #tpu.memory_space<vmem>>) target_semaphore(%run_scoped3A : memref<!tpu.dma_semaphore, #tpu.memory_space<semaphore_mem>>)
      %dma_wait3A_141 = tpu.memref_slice %arg2[%add3A_87] : memref<16384xi32, #tpu.memory_space<hbm>> -> memref<128xi32, #tpu.memory_space<hbm>>
      %dma_wait3A_142 = tpu.memref_slice %arg2[%add3A_87] : memref<16384xi32, #tpu.memory_space<hbm>> -> memref<128xi32, #tpu.memory_space<hbm>>
      tpu.wait_dma2 semaphore(%run_scoped3A : memref<!tpu.dma_semaphore, #tpu.memory_space<semaphore_mem>>) src(%dma_wait3A_142 : memref<128xi32, #tpu.memory_space<hbm>>) dst(%arg14 : memref<128xi32, #tpu.memory_space<vmem>>)
      tpu.yield
    }) : () -> ()
    "tpu.region"() ({
      %run_scoped3A = tpu.sem_alloc : memref<!tpu.dma_semaphore, #tpu.memory_space<semaphore_mem>>
      %dma_start3A_139 = tpu.memref_slice %arg3[%add3A_87] : memref<16384xi32, #tpu.memory_space<hbm>> -> memref<128xi32, #tpu.memory_space<hbm>>
      %dma_start3A_140 = tpu.memref_slice %arg3[%add3A_87] : memref<16384xi32, #tpu.memory_space<hbm>> -> memref<128xi32, #tpu.memory_space<hbm>>
      tpu.enqueue_dma source(%dma_start3A_140 : memref<128xi32, #tpu.memory_space<hbm>>) target(%arg15 : memref<128xi32, #tpu.memory_space<vmem>>) target_semaphore(%run_scoped3A : memref<!tpu.dma_semaphore, #tpu.memory_space<semaphore_mem>>)
      %dma_wait3A_141 = tpu.memref_slice %arg3[%add3A_87] : memref<16384xi32, #tpu.memory_space<hbm>> -> memref<128xi32, #tpu.memory_space<hbm>>
      %dma_wait3A_142 = tpu.memref_slice %arg3[%add3A_87] : memref<16384xi32, #tpu.memory_space<hbm>> -> memref<128xi32, #tpu.memory_space<hbm>>
      tpu.wait_dma2 semaphore(%run_scoped3A : memref<!tpu.dma_semaphore, #tpu.memory_space<semaphore_mem>>) src(%dma_wait3A_142 : memref<128xi32, #tpu.memory_space<hbm>>) dst(%arg15 : memref<128xi32, #tpu.memory_space<vmem>>)
      tpu.yield
    }) : () -> ()
    "tpu.region"() ({
      %run_scoped3A = tpu.sem_alloc : memref<!tpu.dma_semaphore, #tpu.memory_space<semaphore_mem>>
      %dma_start3A_139 = tpu.memref_slice %arg4[%add3A_87] : memref<16384xi32, #tpu.memory_space<hbm>> -> memref<128xi32, #tpu.memory_space<hbm>>
      %dma_start3A_140 = tpu.memref_slice %arg4[%add3A_87] : memref<16384xi32, #tpu.memory_space<hbm>> -> memref<128xi32, #tpu.memory_space<hbm>>
      tpu.enqueue_dma source(%dma_start3A_140 : memref<128xi32, #tpu.memory_space<hbm>>) target(%arg16 : memref<128xi32, #tpu.memory_space<vmem>>) target_semaphore(%run_scoped3A : memref<!tpu.dma_semaphore, #tpu.memory_space<semaphore_mem>>)
      %dma_wait3A_141 = tpu.memref_slice %arg4[%add3A_87] : memref<16384xi32, #tpu.memory_space<hbm>> -> memref<128xi32, #tpu.memory_space<hbm>>
      %dma_wait3A_142 = tpu.memref_slice %arg4[%add3A_87] : memref<16384xi32, #tpu.memory_space<hbm>> -> memref<128xi32, #tpu.memory_space<hbm>>
      tpu.wait_dma2 semaphore(%run_scoped3A : memref<!tpu.dma_semaphore, #tpu.memory_space<semaphore_mem>>) src(%dma_wait3A_142 : memref<128xi32, #tpu.memory_space<hbm>>) dst(%arg16 : memref<128xi32, #tpu.memory_space<vmem>>)
      tpu.yield
    }) : () -> ()
    "tpu.region"() ({
      %run_scoped3A = tpu.sem_alloc : memref<!tpu.dma_semaphore, #tpu.memory_space<semaphore_mem>>
      %dma_start3A_139 = tpu.memref_slice %arg5[%add3A_87] : memref<16384xi32, #tpu.memory_space<hbm>> -> memref<128xi32, #tpu.memory_space<hbm>>
      %dma_start3A_140 = tpu.memref_slice %arg5[%add3A_87] : memref<16384xi32, #tpu.memory_space<hbm>> -> memref<128xi32, #tpu.memory_space<hbm>>
      tpu.enqueue_dma source(%dma_start3A_140 : memref<128xi32, #tpu.memory_space<hbm>>) target(%arg17 : memref<128xi32, #tpu.memory_space<vmem>>) target_semaphore(%run_scoped3A : memref<!tpu.dma_semaphore, #tpu.memory_space<semaphore_mem>>)
      %dma_wait3A_141 = tpu.memref_slice %arg5[%add3A_87] : memref<16384xi32, #tpu.memory_space<hbm>> -> memref<128xi32, #tpu.memory_space<hbm>>
      %dma_wait3A_142 = tpu.memref_slice %arg5[%add3A_87] : memref<16384xi32, #tpu.memory_space<hbm>> -> memref<128xi32, #tpu.memory_space<hbm>>
      tpu.wait_dma2 semaphore(%run_scoped3A : memref<!tpu.dma_semaphore, #tpu.memory_space<semaphore_mem>>) src(%dma_wait3A_142 : memref<128xi32, #tpu.memory_space<hbm>>) dst(%arg17 : memref<128xi32, #tpu.memory_space<vmem>>)
      tpu.yield
    }) : () -> ()
    %scan3A_88 = arith.constant 0 : i32
    %scan3A_89 = arith.constant 0 : i32
    %scan3A_90 = arith.constant 8 : i32
    %scan3A_91 = arith.addi %scan3A_89, %scan3A_90 : i32
    %scan3A_92 = arith.constant 1 : i32
    scf.for %scan3A_139 = %scan3A_89 to %scan3A_91 step %scan3A_92  : i32 {
      %mul3A_140 = arith.constant 16 : i32
      %mul3A_141 = arith.muli %scan3A_139, %mul3A_140 : i32
      %get3A = arith.index_cast %mul3A_141 : i32 to index
      %get3A_142 = tpu.vector_load %arg14[%get3A] {strides = array<i32>} : memref<128xi32, #tpu.memory_space<vmem>>, vector<16xi32>,
      %get3A_143 = arith.index_cast %mul3A_141 : i32 to index
      %get3A_144 = tpu.vector_load %arg16[%get3A_143] {strides = array<i32>} : memref<128xi32, #tpu.memory_space<vmem>>, vector<16xi32>,
      %get3A_145 = arith.index_cast %mul3A_141 : i32 to index
      %get3A_146 = tpu.vector_load %arg17[%get3A_145] {strides = array<i32>} : memref<128xi32, #tpu.memory_space<vmem>>, vector<16xi32>,
      %lt3A = arith.constant 557056 : i32
      %lt3A_147 = vector.broadcast %lt3A : i32 to vector<16xi32>
      %lt3A_148 = arith.cmpi slt, %get3A_142, %lt3A_147 : vector<16xi32>
      %sub3A = arith.constant 557056 : i32
      %sub3A_149 = vector.broadcast %sub3A : i32 to vector<16xi32>
      %sub3A_150 = arith.subi %get3A_142, %sub3A_149 : vector<16xi32>
      %select_n3A = arith.select %lt3A_148, %get3A_142, %sub3A_150 : vector<16xi1>, vector<16xi32>
      %swap3A = arith.index_cast %mul3A_141 : i32 to index
      %swap3A_151 = tpu.vector_load %arg21[%swap3A] {strides = array<i32>} : memref<128xi32, #tpu.memory_space<vmem>>, vector<16xi32>,
      tpu.vector_store %arg21[%swap3A], %select_n3A {strides = array<i32>} : memref<128xi32, #tpu.memory_space<vmem>>, vector<16xi32>,
      %lt3A_152 = arith.constant 557056 : i32
      %lt3A_153 = vector.broadcast %lt3A_152 : i32 to vector<16xi32>
      %lt3A_154 = arith.cmpi slt, %get3A_144, %lt3A_153 : vector<16xi32>
      %sub3A_155 = arith.constant 557056 : i32
      %sub3A_156 = vector.broadcast %sub3A_155 : i32 to vector<16xi32>
      %sub3A_157 = arith.subi %get3A_144, %sub3A_156 : vector<16xi32>
      %select_n3A_158 = arith.select %lt3A_154, %get3A_144, %sub3A_157 : vector<16xi1>, vector<16xi32>
      %swap3A_159 = arith.index_cast %mul3A_141 : i32 to index
      %swap3A_160 = tpu.vector_load %arg22[%swap3A_159] {strides = array<i32>} : memref<128xi32, #tpu.memory_space<vmem>>, vector<16xi32>,
      tpu.vector_store %arg22[%swap3A_159], %select_n3A_158 {strides = array<i32>} : memref<128xi32, #tpu.memory_space<vmem>>, vector<16xi32>,
      %lt3A_161 = arith.constant 557056 : i32
      %lt3A_162 = vector.broadcast %lt3A_161 : i32 to vector<16xi32>
      %lt3A_163 = arith.cmpi slt, %get3A_146, %lt3A_162 : vector<16xi32>
      %sub3A_164 = arith.constant 557056 : i32
      %sub3A_165 = vector.broadcast %sub3A_164 : i32 to vector<16xi32>
      %sub3A_166 = arith.subi %get3A_146, %sub3A_165 : vector<16xi32>
      %select_n3A_167 = arith.select %lt3A_163, %get3A_146, %sub3A_166 : vector<16xi1>, vector<16xi32>
      %swap3A_168 = arith.index_cast %mul3A_141 : i32 to index
      %swap3A_169 = tpu.vector_load %arg23[%swap3A_168] {strides = array<i32>} : memref<128xi32, #tpu.memory_space<vmem>>, vector<16xi32>,
      tpu.vector_store %arg23[%swap3A_168], %select_n3A_167 {strides = array<i32>} : memref<128xi32, #tpu.memory_space<vmem>>, vector<16xi32>,
    }
    %scan3A_93 = arith.constant 8 : i32
    %dma_start3A_94 = arith.constant 0 : i32
    %dma_start3A_95 = arith.constant 0 : i32
    %dma_start3A_96 = tpu.memref_slice %arg7[%dma_start3A_94, %dma_start3A_95] : memref<557056x128xf32, #tpu.memory_space<hbm>> -> memref<557056x128xf32, #tpu.memory_space<hbm>>
    tpu.enqueue_indirect_dma source(%dma_start3A_96 : memref<557056x128xf32, #tpu.memory_space<hbm>>) target(%arg27 : memref<128x128xf32, #tpu.memory_space<vmem>>) offsets(%arg21 : memref<128xi32, #tpu.memory_space<vmem>>) semaphore(%arg34 : memref<!tpu.dma_semaphore, #tpu.memory_space<semaphore_mem>>)
    %dma_start3A_97 = arith.constant 0 : i32
    %dma_start3A_98 = arith.constant 0 : i32
    %dma_start3A_99 = tpu.memref_slice %arg7[%dma_start3A_97, %dma_start3A_98] : memref<557056x128xf32, #tpu.memory_space<hbm>> -> memref<557056x128xf32, #tpu.memory_space<hbm>>
    tpu.enqueue_indirect_dma source(%dma_start3A_99 : memref<557056x128xf32, #tpu.memory_space<hbm>>) target(%arg28 : memref<128x128xf32, #tpu.memory_space<vmem>>) offsets(%arg22 : memref<128xi32, #tpu.memory_space<vmem>>) semaphore(%arg34 : memref<!tpu.dma_semaphore, #tpu.memory_space<semaphore_mem>>)
    %dma_start3A_100 = arith.constant 0 : i32
    %dma_start3A_101 = arith.constant 0 : i32
    %dma_start3A_102 = tpu.memref_slice %arg7[%dma_start3A_100, %dma_start3A_101] : memref<557056x128xf32, #tpu.memory_space<hbm>> -> memref<557056x128xf32, #tpu.memory_space<hbm>>
    tpu.enqueue_indirect_dma source(%dma_start3A_102 : memref<557056x128xf32, #tpu.memory_space<hbm>>) target(%arg29 : memref<128x128xf32, #tpu.memory_space<vmem>>) offsets(%arg23 : memref<128xi32, #tpu.memory_space<vmem>>) semaphore(%arg34 : memref<!tpu.dma_semaphore, #tpu.memory_space<semaphore_mem>>)
    %dma_wait3A_103 = arith.constant 0 : i32
    %dma_wait3A_104 = arith.constant 0 : i32
    %dma_wait3A_105 = tpu.memref_slice %arg7[%dma_wait3A_103, %dma_wait3A_104] : memref<557056x128xf32, #tpu.memory_space<hbm>> -> memref<557056x128xf32, #tpu.memory_space<hbm>>
    tpu.wait_indirect_dma semaphore(%arg33 : memref<!tpu.dma_semaphore, #tpu.memory_space<semaphore_mem>>) src(%dma_wait3A_105 : memref<557056x128xf32, #tpu.memory_space<hbm>>) dst(%arg24 : memref<128x128xf32, #tpu.memory_space<vmem>>)
    %dma_wait3A_106 = arith.constant 0 : i32
    %dma_wait3A_107 = arith.constant 0 : i32
    %dma_wait3A_108 = tpu.memref_slice %arg7[%dma_wait3A_106, %dma_wait3A_107] : memref<557056x128xf32, #tpu.memory_space<hbm>> -> memref<557056x128xf32, #tpu.memory_space<hbm>>
    tpu.wait_indirect_dma semaphore(%arg33 : memref<!tpu.dma_semaphore, #tpu.memory_space<semaphore_mem>>) src(%dma_wait3A_108 : memref<557056x128xf32, #tpu.memory_space<hbm>>) dst(%arg25 : memref<128x128xf32, #tpu.memory_space<vmem>>)
    %dma_wait3A_109 = arith.constant 0 : i32
    %dma_wait3A_110 = arith.constant 0 : i32
    %dma_wait3A_111 = tpu.memref_slice %arg7[%dma_wait3A_109, %dma_wait3A_110] : memref<557056x128xf32, #tpu.memory_space<hbm>> -> memref<557056x128xf32, #tpu.memory_space<hbm>>
    tpu.wait_indirect_dma semaphore(%arg33 : memref<!tpu.dma_semaphore, #tpu.memory_space<semaphore_mem>>) src(%dma_wait3A_111 : memref<557056x128xf32, #tpu.memory_space<hbm>>) dst(%arg26 : memref<128x128xf32, #tpu.memory_space<vmem>>)
    %iota3A_112 = tpu.iota {dimensions = array<i32: 0>} : vector<16xi32>
    %scan3A_113 = arith.constant 0 : i32
    %scan3A_114 = arith.constant 0 : i32
    %scan3A_115 = arith.constant 8 : i32
    %scan3A_116 = arith.addi %scan3A_114, %scan3A_115 : i32
    %scan3A_117 = arith.constant 1 : i32
    scf.for %scan3A_139 = %scan3A_114 to %scan3A_116 step %scan3A_117  : i32 {
      %mul3A_140 = arith.constant 16 : i32
      %mul3A_141 = arith.muli %scan3A_139, %mul3A_140 : i32
      %mul3A_142 = arith.constant 16 : i32
      %mul3A_143 = arith.muli %scan3A_139, %mul3A_142 : i32
      %add3A_144 = vector.broadcast %mul3A_143 : i32 to vector<16xi32>
      %add3A_145 = arith.addi %add3A_144, %iota3A_112 : vector<16xi32>
      %get3A = arith.index_cast %mul3A_141 : i32 to index
      %get3A_146 = tpu.vector_load %arg10[%get3A] {strides = array<i32>} : memref<128xi32, #tpu.memory_space<vmem>>, vector<16xi32>,
      %lt3A = arith.constant 557056 : i32
      %lt3A_147 = vector.broadcast %lt3A : i32 to vector<16xi32>
      %lt3A_148 = arith.cmpi slt, %get3A_146, %lt3A_147 : vector<16xi32>
      %jit3A = arith.constant 0 : i32
      %jit3A_149 = arith.constant 64 : i32
      %broadcast_in_dim3A = vector.broadcast %jit3A : i32 to vector<16xi32>
      %broadcast_in_dim3A_150 = vector.broadcast %jit3A_149 : i32 to vector<16xi32>
      %select_n3A = arith.select %lt3A_148, %broadcast_in_dim3A, %broadcast_in_dim3A_150 : vector<16xi1>, vector<16xi32>
      %get3A_151 = arith.index_cast %mul3A_141 : i32 to index
      %get3A_152 = tpu.vector_load %arg12[%get3A_151] {strides = array<i32>} : memref<128xi32, #tpu.memory_space<vmem>>, vector<16xi32>,
      %lt3A_153 = arith.constant 557056 : i32
      %lt3A_154 = vector.broadcast %lt3A_153 : i32 to vector<16xi32>
      %lt3A_155 = arith.cmpi slt, %get3A_152, %lt3A_154 : vector<16xi32>
      %jit3A_156 = arith.constant 0 : i32
      %jit3A_157 = arith.constant 64 : i32
      %broadcast_in_dim3A_158 = vector.broadcast %jit3A_156 : i32 to vector<16xi32>
      %broadcast_in_dim3A_159 = vector.broadcast %jit3A_157 : i32 to vector<16xi32>
      %select_n3A_160 = arith.select %lt3A_155, %broadcast_in_dim3A_158, %broadcast_in_dim3A_159 : vector<16xi1>, vector<16xi32>
      %get3A_161 = arith.index_cast %mul3A_141 : i32 to index
      %get3A_162 = tpu.vector_load %arg13[%get3A_161] {strides = array<i32>} : memref<128xi32, #tpu.memory_space<vmem>>, vector<16xi32>,
      %lt3A_163 = arith.constant 557056 : i32
      %lt3A_164 = vector.broadcast %lt3A_163 : i32 to vector<16xi32>
      %lt3A_165 = arith.cmpi slt, %get3A_162, %lt3A_164 : vector<16xi32>
      %jit3A_166 = arith.constant 0 : i32
      %jit3A_167 = arith.constant 64 : i32
      %broadcast_in_dim3A_168 = vector.broadcast %jit3A_166 : i32 to vector<16xi32>
      %broadcast_in_dim3A_169 = vector.broadcast %jit3A_167 : i32 to vector<16xi32>
      %select_n3A_170 = arith.select %lt3A_165, %broadcast_in_dim3A_168, %broadcast_in_dim3A_169 : vector<16xi1>, vector<16xi32>
      %get3A_171 = arith.index_cast %mul3A_141 : i32 to index
      %get3A_172 = tpu.vector_load %arg11[%get3A_171] {strides = array<i32>} : memref<128xi32, #tpu.memory_space<vmem>>, vector<16xi32>,
      %broadcast_in_dim3A_173 = arith.constant 0.000000e+00 : f32
      %broadcast_in_dim3A_174 = vector.broadcast %broadcast_in_dim3A_173 : f32 to vector<16xf32>
      %broadcast_in_dim3A_175 = arith.constant 0.000000e+00 : f32
      %broadcast_in_dim3A_176 = vector.broadcast %broadcast_in_dim3A_175 : f32 to vector<16xf32>
      %scan3A_177 = arith.constant 0 : i32
      %scan3A_178 = arith.constant 64 : i32
      %scan3A_179 = arith.addi %scan3A_177, %scan3A_178 : i32
      %scan3A_180 = arith.constant 1 : i32
      %scan3A_181:2 = scf.for %scan3A_186 = %scan3A_177 to %scan3A_179 step %scan3A_180 iter_args(%scan3A_187 = %broadcast_in_dim3A_174, %scan3A_188 = %broadcast_in_dim3A_176) -> (vector<16xf32>, vector<16xf32>)  : i32 {
        %add3A_189 = vector.broadcast %scan3A_186 : i32 to vector<16xi32>
        %add3A_190 = arith.addi %select_n3A, %add3A_189 : vector<16xi32>
        %gather3A = tpu.vector_load_idx %arg24[%add3A_145, %add3A_190] : memref<128x128xf32, #tpu.memory_space<vmem>>[vector<16xi32>, vector<16xi32>], vector<16xf32>,
        %mul3A_191 = arith.constant 0 : i32
        %mul3A_192 = vector.broadcast %mul3A_191 : i32 to vector<16xi32>
        %mul3A_193 = arith.muli %select_n3A, %mul3A_192 : vector<16xi32>
        %add3A_194 = vector.broadcast %scan3A_186 : i32 to vector<16xi32>
        %add3A_195 = arith.addi %mul3A_193, %add3A_194 : vector<16xi32>
        %gather3A_196 = tpu.vector_load_idx %arg30[%get3A_172, %add3A_195] : memref<64x128xf32, #tpu.memory_space<vmem>>[vector<16xi32>, vector<16xi32>], vector<16xf32>,
        %add3A_197 = vector.broadcast %scan3A_186 : i32 to vector<16xi32>
        %add3A_198 = arith.addi %select_n3A_160, %add3A_197 : vector<16xi32>
        %gather3A_199 = tpu.vector_load_idx %arg25[%add3A_145, %add3A_198] : memref<128x128xf32, #tpu.memory_space<vmem>>[vector<16xi32>, vector<16xi32>], vector<16xf32>,
        %add3A_200 = vector.broadcast %scan3A_186 : i32 to vector<16xi32>
        %add3A_201 = arith.addi %select_n3A_170, %add3A_200 : vector<16xi32>
        %gather3A_202 = tpu.vector_load_idx %arg26[%add3A_145, %add3A_201] : memref<128x128xf32, #tpu.memory_space<vmem>>[vector<16xi32>, vector<16xi32>], vector<16xf32>,
        %add3A_203 = arith.addf %gather3A, %gather3A_196 : vector<16xf32>
        %mul3A_204 = arith.mulf %add3A_203, %gather3A_199 : vector<16xf32>
        %add3A_205 = arith.addf %scan3A_187, %mul3A_204 : vector<16xf32>
        %mul3A_206 = arith.mulf %add3A_203, %gather3A_202 : vector<16xf32>
        %add3A_207 = arith.addf %scan3A_188, %mul3A_206 : vector<16xf32>
        scf.yield %add3A_205, %add3A_207 : vector<16xf32>, vector<16xf32>
      }
      %scan3A_182 = arith.constant 64 : i32
      %swap3A = arith.index_cast %mul3A_141 : i32 to index
      %swap3A_183 = tpu.vector_load %arg31[%swap3A] {strides = array<i32>} : memref<128xf32, #tpu.memory_space<vmem>>, vector<16xf32>,
      tpu.vector_store %arg31[%swap3A], %scan3A_181#0 {strides = array<i32>} : memref<128xf32, #tpu.memory_space<vmem>>, vector<16xf32>,
      %swap3A_184 = arith.index_cast %mul3A_141 : i32 to index
      %swap3A_185 = tpu.vector_load %arg32[%swap3A_184] {strides = array<i32>} : memref<128xf32, #tpu.memory_space<vmem>>, vector<16xf32>,
      tpu.vector_store %arg32[%swap3A_184], %scan3A_181#1 {strides = array<i32>} : memref<128xf32, #tpu.memory_space<vmem>>, vector<16xf32>,
    }
    %scan3A_118 = arith.constant 8 : i32
    %add3A_119 = arith.constant 256 : i32
    %add3A_120 = arith.addi %mul3A_2, %add3A_119 : i32
    "tpu.region"() ({
      %run_scoped3A = tpu.sem_alloc : memref<!tpu.dma_semaphore, #tpu.memory_space<semaphore_mem>>
      %dma_start3A_139 = tpu.memref_slice %arg8[%add3A_120] : memref<16384xf32, #tpu.memory_space<hbm>> -> memref<128xf32, #tpu.memory_space<hbm>>
      %dma_start3A_140 = tpu.memref_slice %arg8[%add3A_120] : memref<16384xf32, #tpu.memory_space<hbm>> -> memref<128xf32, #tpu.memory_space<hbm>>
      tpu.enqueue_dma source(%arg31 : memref<128xf32, #tpu.memory_space<vmem>>) target(%dma_start3A_140 : memref<128xf32, #tpu.memory_space<hbm>>) target_semaphore(%run_scoped3A : memref<!tpu.dma_semaphore, #tpu.memory_space<semaphore_mem>>)
      %dma_wait3A_141 = tpu.memref_slice %arg8[%add3A_120] : memref<16384xf32, #tpu.memory_space<hbm>> -> memref<128xf32, #tpu.memory_space<hbm>>
      %dma_wait3A_142 = tpu.memref_slice %arg8[%add3A_120] : memref<16384xf32, #tpu.memory_space<hbm>> -> memref<128xf32, #tpu.memory_space<hbm>>
      tpu.wait_dma2 semaphore(%run_scoped3A : memref<!tpu.dma_semaphore, #tpu.memory_space<semaphore_mem>>) src(%arg31 : memref<128xf32, #tpu.memory_space<vmem>>) dst(%dma_wait3A_142 : memref<128xf32, #tpu.memory_space<hbm>>)
      tpu.yield
    }) : () -> ()
    "tpu.region"() ({
      %run_scoped3A = tpu.sem_alloc : memref<!tpu.dma_semaphore, #tpu.memory_space<semaphore_mem>>
      %dma_start3A_139 = tpu.memref_slice %arg9[%add3A_120] : memref<16384xf32, #tpu.memory_space<hbm>> -> memref<128xf32, #tpu.memory_space<hbm>>
      %dma_start3A_140 = tpu.memref_slice %arg9[%add3A_120] : memref<16384xf32, #tpu.memory_space<hbm>> -> memref<128xf32, #tpu.memory_space<hbm>>
      tpu.enqueue_dma source(%arg32 : memref<128xf32, #tpu.memory_space<vmem>>) target(%dma_start3A_140 : memref<128xf32, #tpu.memory_space<hbm>>) target_semaphore(%run_scoped3A : memref<!tpu.dma_semaphore, #tpu.memory_space<semaphore_mem>>)
      %dma_wait3A_141 = tpu.memref_slice %arg9[%add3A_120] : memref<16384xf32, #tpu.memory_space<hbm>> -> memref<128xf32, #tpu.memory_space<hbm>>
      %dma_wait3A_142 = tpu.memref_slice %arg9[%add3A_120] : memref<16384xf32, #tpu.memory_space<hbm>> -> memref<128xf32, #tpu.memory_space<hbm>>
      tpu.wait_dma2 semaphore(%run_scoped3A : memref<!tpu.dma_semaphore, #tpu.memory_space<semaphore_mem>>) src(%arg32 : memref<128xf32, #tpu.memory_space<vmem>>) dst(%dma_wait3A_142 : memref<128xf32, #tpu.memory_space<hbm>>)
      tpu.yield
    }) : () -> ()
    %dma_wait3A_121 = arith.constant 0 : i32
    %dma_wait3A_122 = arith.constant 0 : i32
    %dma_wait3A_123 = tpu.memref_slice %arg7[%dma_wait3A_121, %dma_wait3A_122] : memref<557056x128xf32, #tpu.memory_space<hbm>> -> memref<557056x128xf32, #tpu.memory_space<hbm>>
    tpu.wait_indirect_dma semaphore(%arg34 : memref<!tpu.dma_semaphore, #tpu.memory_space<semaphore_mem>>) src(%dma_wait3A_123 : memref<557056x128xf32, #tpu.memory_space<hbm>>) dst(%arg27 : memref<128x128xf32, #tpu.memory_space<vmem>>)
    %dma_wait3A_124 = arith.constant 0 : i32
    %dma_wait3A_125 = arith.constant 0 : i32
    %dma_wait3A_126 = tpu.memref_slice %arg7[%dma_wait3A_124, %dma_wait3A_125] : memref<557056x128xf32, #tpu.memory_space<hbm>> -> memref<557056x128xf32, #tpu.memory_space<hbm>>
    tpu.wait_indirect_dma semaphore(%arg34 : memref<!tpu.dma_semaphore, #tpu.memory_space<semaphore_mem>>) src(%dma_wait3A_126 : memref<557056x128xf32, #tpu.memory_space<hbm>>) dst(%arg28 : memref<128x128xf32, #tpu.memory_space<vmem>>)
    %dma_wait3A_127 = arith.constant 0 : i32
    %dma_wait3A_128 = arith.constant 0 : i32
    %dma_wait3A_129 = tpu.memref_slice %arg7[%dma_wait3A_127, %dma_wait3A_128] : memref<557056x128xf32, #tpu.memory_space<hbm>> -> memref<557056x128xf32, #tpu.memory_space<hbm>>
    tpu.wait_indirect_dma semaphore(%arg34 : memref<!tpu.dma_semaphore, #tpu.memory_space<semaphore_mem>>) src(%dma_wait3A_129 : memref<557056x128xf32, #tpu.memory_space<hbm>>) dst(%arg29 : memref<128x128xf32, #tpu.memory_space<vmem>>)
    %iota3A_130 = tpu.iota {dimensions = array<i32: 0>} : vector<16xi32>
    %scan3A_131 = arith.constant 0 : i32
    %scan3A_132 = arith.constant 0 : i32
    %scan3A_133 = arith.constant 8 : i32
    %scan3A_134 = arith.addi %scan3A_132, %scan3A_133 : i32
    %scan3A_135 = arith.constant 1 : i32
    scf.for %scan3A_139 = %scan3A_132 to %scan3A_134 step %scan3A_135  : i32 {
      %mul3A_140 = arith.constant 16 : i32
      %mul3A_141 = arith.muli %scan3A_139, %mul3A_140 : i32
      %mul3A_142 = arith.constant 16 : i32
      %mul3A_143 = arith.muli %scan3A_139, %mul3A_142 : i32
      %add3A_144 = vector.broadcast %mul3A_143 : i32 to vector<16xi32>
      %add3A_145 = arith.addi %add3A_144, %iota3A_130 : vector<16xi32>
      %get3A = arith.index_cast %mul3A_141 : i32 to index
      %get3A_146 = tpu.vector_load %arg14[%get3A] {strides = array<i32>} : memref<128xi32, #tpu.memory_space<vmem>>, vector<16xi32>,
      %lt3A = arith.constant 557056 : i32
      %lt3A_147 = vector.broadcast %lt3A : i32 to vector<16xi32>
      %lt3A_148 = arith.cmpi slt, %get3A_146, %lt3A_147 : vector<16xi32>
      %jit3A = arith.constant 0 : i32
      %jit3A_149 = arith.constant 64 : i32
      %broadcast_in_dim3A = vector.broadcast %jit3A : i32 to vector<16xi32>
      %broadcast_in_dim3A_150 = vector.broadcast %jit3A_149 : i32 to vector<16xi32>
      %select_n3A = arith.select %lt3A_148, %broadcast_in_dim3A, %broadcast_in_dim3A_150 : vector<16xi1>, vector<16xi32>
      %get3A_151 = arith.index_cast %mul3A_141 : i32 to index
      %get3A_152 = tpu.vector_load %arg16[%get3A_151] {strides = array<i32>} : memref<128xi32, #tpu.memory_space<vmem>>, vector<16xi32>,
      %lt3A_153 = arith.constant 557056 : i32
      %lt3A_154 = vector.broadcast %lt3A_153 : i32 to vector<16xi32>
      %lt3A_155 = arith.cmpi slt, %get3A_152, %lt3A_154 : vector<16xi32>
      %jit3A_156 = arith.constant 0 : i32
      %jit3A_157 = arith.constant 64 : i32
      %broadcast_in_dim3A_158 = vector.broadcast %jit3A_156 : i32 to vector<16xi32>
      %broadcast_in_dim3A_159 = vector.broadcast %jit3A_157 : i32 to vector<16xi32>
      %select_n3A_160 = arith.select %lt3A_155, %broadcast_in_dim3A_158, %broadcast_in_dim3A_159 : vector<16xi1>, vector<16xi32>
      %get3A_161 = arith.index_cast %mul3A_141 : i32 to index
      %get3A_162 = tpu.vector_load %arg17[%get3A_161] {strides = array<i32>} : memref<128xi32, #tpu.memory_space<vmem>>, vector<16xi32>,
      %lt3A_163 = arith.constant 557056 : i32
      %lt3A_164 = vector.broadcast %lt3A_163 : i32 to vector<16xi32>
      %lt3A_165 = arith.cmpi slt, %get3A_162, %lt3A_164 : vector<16xi32>
      %jit3A_166 = arith.constant 0 : i32
      %jit3A_167 = arith.constant 64 : i32
      %broadcast_in_dim3A_168 = vector.broadcast %jit3A_166 : i32 to vector<16xi32>
      %broadcast_in_dim3A_169 = vector.broadcast %jit3A_167 : i32 to vector<16xi32>
      %select_n3A_170 = arith.select %lt3A_165, %broadcast_in_dim3A_168, %broadcast_in_dim3A_169 : vector<16xi1>, vector<16xi32>
      %get3A_171 = arith.index_cast %mul3A_141 : i32 to index
      %get3A_172 = tpu.vector_load %arg15[%get3A_171] {strides = array<i32>} : memref<128xi32, #tpu.memory_space<vmem>>, vector<16xi32>,
      %broadcast_in_dim3A_173 = arith.constant 0.000000e+00 : f32
      %broadcast_in_dim3A_174 = vector.broadcast %broadcast_in_dim3A_173 : f32 to vector<16xf32>
      %broadcast_in_dim3A_175 = arith.constant 0.000000e+00 : f32
      %broadcast_in_dim3A_176 = vector.broadcast %broadcast_in_dim3A_175 : f32 to vector<16xf32>
      %scan3A_177 = arith.constant 0 : i32
      %scan3A_178 = arith.constant 64 : i32
      %scan3A_179 = arith.addi %scan3A_177, %scan3A_178 : i32
      %scan3A_180 = arith.constant 1 : i32
      %scan3A_181:2 = scf.for %scan3A_186 = %scan3A_177 to %scan3A_179 step %scan3A_180 iter_args(%scan3A_187 = %broadcast_in_dim3A_174, %scan3A_188 = %broadcast_in_dim3A_176) -> (vector<16xf32>, vector<16xf32>)  : i32 {
        %add3A_189 = vector.broadcast %scan3A_186 : i32 to vector<16xi32>
        %add3A_190 = arith.addi %select_n3A, %add3A_189 : vector<16xi32>
        %gather3A = tpu.vector_load_idx %arg27[%add3A_145, %add3A_190] : memref<128x128xf32, #tpu.memory_space<vmem>>[vector<16xi32>, vector<16xi32>], vector<16xf32>,
        %mul3A_191 = arith.constant 0 : i32
        %mul3A_192 = vector.broadcast %mul3A_191 : i32 to vector<16xi32>
        %mul3A_193 = arith.muli %select_n3A, %mul3A_192 : vector<16xi32>
        %add3A_194 = vector.broadcast %scan3A_186 : i32 to vector<16xi32>
        %add3A_195 = arith.addi %mul3A_193, %add3A_194 : vector<16xi32>
        %gather3A_196 = tpu.vector_load_idx %arg30[%get3A_172, %add3A_195] : memref<64x128xf32, #tpu.memory_space<vmem>>[vector<16xi32>, vector<16xi32>], vector<16xf32>,
        %add3A_197 = vector.broadcast %scan3A_186 : i32 to vector<16xi32>
        %add3A_198 = arith.addi %select_n3A_160, %add3A_197 : vector<16xi32>
        %gather3A_199 = tpu.vector_load_idx %arg28[%add3A_145, %add3A_198] : memref<128x128xf32, #tpu.memory_space<vmem>>[vector<16xi32>, vector<16xi32>], vector<16xf32>,
        %add3A_200 = vector.broadcast %scan3A_186 : i32 to vector<16xi32>
        %add3A_201 = arith.addi %select_n3A_170, %add3A_200 : vector<16xi32>
        %gather3A_202 = tpu.vector_load_idx %arg29[%add3A_145, %add3A_201] : memref<128x128xf32, #tpu.memory_space<vmem>>[vector<16xi32>, vector<16xi32>], vector<16xf32>,
        %add3A_203 = arith.addf %gather3A, %gather3A_196 : vector<16xf32>
        %mul3A_204 = arith.mulf %add3A_203, %gather3A_199 : vector<16xf32>
        %add3A_205 = arith.addf %scan3A_187, %mul3A_204 : vector<16xf32>
        %mul3A_206 = arith.mulf %add3A_203, %gather3A_202 : vector<16xf32>
        %add3A_207 = arith.addf %scan3A_188, %mul3A_206 : vector<16xf32>
        scf.yield %add3A_205, %add3A_207 : vector<16xf32>, vector<16xf32>
      }
      %scan3A_182 = arith.constant 64 : i32
      %swap3A = arith.index_cast %mul3A_141 : i32 to index
      %swap3A_183 = tpu.vector_load %arg31[%swap3A] {strides = array<i32>} : memref<128xf32, #tpu.memory_space<vmem>>, vector<16xf32>,
      tpu.vector_store %arg31[%swap3A], %scan3A_181#0 {strides = array<i32>} : memref<128xf32, #tpu.memory_space<vmem>>, vector<16xf32>,
      %swap3A_184 = arith.index_cast %mul3A_141 : i32 to index
      %swap3A_185 = tpu.vector_load %arg32[%swap3A_184] {strides = array<i32>} : memref<128xf32, #tpu.memory_space<vmem>>, vector<16xf32>,
      tpu.vector_store %arg32[%swap3A_184], %scan3A_181#1 {strides = array<i32>} : memref<128xf32, #tpu.memory_space<vmem>>, vector<16xf32>,
    }
    %scan3A_136 = arith.constant 8 : i32
    %add3A_137 = arith.constant 384 : i32
    %add3A_138 = arith.addi %mul3A_2, %add3A_137 : i32
    "tpu.region"() ({
      %run_scoped3A = tpu.sem_alloc : memref<!tpu.dma_semaphore, #tpu.memory_space<semaphore_mem>>
      %dma_start3A_139 = tpu.memref_slice %arg8[%add3A_138] : memref<16384xf32, #tpu.memory_space<hbm>> -> memref<128xf32, #tpu.memory_space<hbm>>
      %dma_start3A_140 = tpu.memref_slice %arg8[%add3A_138] : memref<16384xf32, #tpu.memory_space<hbm>> -> memref<128xf32, #tpu.memory_space<hbm>>
      tpu.enqueue_dma source(%arg31 : memref<128xf32, #tpu.memory_space<vmem>>) target(%dma_start3A_140 : memref<128xf32, #tpu.memory_space<hbm>>) target_semaphore(%run_scoped3A : memref<!tpu.dma_semaphore, #tpu.memory_space<semaphore_mem>>)
      %dma_wait3A_141 = tpu.memref_slice %arg8[%add3A_138] : memref<16384xf32, #tpu.memory_space<hbm>> -> memref<128xf32, #tpu.memory_space<hbm>>
      %dma_wait3A_142 = tpu.memref_slice %arg8[%add3A_138] : memref<16384xf32, #tpu.memory_space<hbm>> -> memref<128xf32, #tpu.memory_space<hbm>>
      tpu.wait_dma2 semaphore(%run_scoped3A : memref<!tpu.dma_semaphore, #tpu.memory_space<semaphore_mem>>) src(%arg31 : memref<128xf32, #tpu.memory_space<vmem>>) dst(%dma_wait3A_142 : memref<128xf32, #tpu.memory_space<hbm>>)
      tpu.yield
    }) : () -> ()
    "tpu.region"() ({
      %run_scoped3A = tpu.sem_alloc : memref<!tpu.dma_semaphore, #tpu.memory_space<semaphore_mem>>
      %dma_start3A_139 = tpu.memref_slice %arg9[%add3A_138] : memref<16384xf32, #tpu.memory_space<hbm>> -> memref<128xf32, #tpu.memory_space<hbm>>
      %dma_start3A_140 = tpu.memref_slice %arg9[%add3A_138] : memref<16384xf32, #tpu.memory_space<hbm>> -> memref<128xf32, #tpu.memory_space<hbm>>
      tpu.enqueue_dma source(%arg32 : memref<128xf32, #tpu.memory_space<vmem>>) target(%dma_start3A_140 : memref<128xf32, #tpu.memory_space<hbm>>) target_semaphore(%run_scoped3A : memref<!tpu.dma_semaphore, #tpu.memory_space<semaphore_mem>>)
      %dma_wait3A_141 = tpu.memref_slice %arg9[%add3A_138] : memref<16384xf32, #tpu.memory_space<hbm>> -> memref<128xf32, #tpu.memory_space<hbm>>
      %dma_wait3A_142 = tpu.memref_slice %arg9[%add3A_138] : memref<16384xf32, #tpu.memory_space<hbm>> -> memref<128xf32, #tpu.memory_space<hbm>>
      tpu.wait_dma2 semaphore(%run_scoped3A : memref<!tpu.dma_semaphore, #tpu.memory_space<semaphore_mem>>) src(%arg32 : memref<128xf32, #tpu.memory_space<vmem>>) dst(%dma_wait3A_142 : memref<128xf32, #tpu.memory_space<hbm>>)
      tpu.yield
    }) : () -> ()
    return
  }
}

module attributes {stable_mosaic.version = 14 : i64} {
  func.func @body(%arg0: i32, %arg1: memref<64x16384xf32, #tpu.memory_space<vmem>>, %arg2: memref<64x16384xf32, #tpu.memory_space<vmem>>, %arg3: memref<16384x128xf32, #tpu.memory_space<vmem>>) attributes {dimension_semantics = [#tpu.dimension_semantics<arbitrary>], iteration_bounds = array<i64: 34>, scalar_prefetch = 0 : i64, scratch_operands = 0 : i64, tpu.core_type = #tpu.core_type<tc>, window_params = [{transform_indices = @transform_0, window_bounds = array<i64: 64, 16384>}, {transform_indices = @transform_1, window_bounds = array<i64: 64, 16384>}, {transform_indices = @transform_2, window_bounds = array<i64: 16384, 128>}]} {
    %get3A = arith.constant 0 : index
    %get3A_0 = arith.constant 0 : index
    %get3A_1 = vector.load %arg1[%get3A, %get3A_0] : memref<64x16384xf32, #tpu.memory_space<vmem>>, vector<64x16384xf32>
    %transpose3A = tpu.transpose %get3A_1, [1, 0] : vector<64x16384xf32> -> vector<16384x64xf32>
    %swap3A = arith.constant 0 : index
    %swap3A_2 = arith.constant 0 : index
    %swap3A_3 = vector.load %arg3[%swap3A, %swap3A_2] : memref<16384x128xf32, #tpu.memory_space<vmem>>, vector<16384x64xf32>
    tpu.vector_store %arg3[%swap3A, %swap3A_2], %transpose3A {strides = array<i32>} : memref<16384x128xf32, #tpu.memory_space<vmem>>, vector<16384x64xf32>,
    %get3A_4 = arith.constant 0 : index
    %get3A_5 = arith.constant 0 : index
    %get3A_6 = vector.load %arg2[%get3A_4, %get3A_5] : memref<64x16384xf32, #tpu.memory_space<vmem>>, vector<64x16384xf32>
    %transpose3A_7 = tpu.transpose %get3A_6, [1, 0] : vector<64x16384xf32> -> vector<16384x64xf32>
    %swap3A_8 = arith.constant 0 : index
    %swap3A_9 = arith.constant 64 : index
    %swap3A_10 = vector.load %arg3[%swap3A_8, %swap3A_9] : memref<16384x128xf32, #tpu.memory_space<vmem>>, vector<16384x64xf32>
    tpu.vector_store %arg3[%swap3A_8, %swap3A_9], %transpose3A_7 {strides = array<i32>} : memref<16384x128xf32, #tpu.memory_space<vmem>>, vector<16384x64xf32>,
    return
  }
  func.func @transform_0(%arg0: i32) -> (i32, i32) {
    %c0_i32 = arith.constant 0 : i32
    %c0_i32_0 = arith.constant 0 : i32
    return %c0_i32, %arg0 : i32, i32
  }
  func.func @transform_1(%arg0: i32) -> (i32, i32) {
    %add3A = arith.constant 34 : i32
    %add3A_0 = arith.addi %arg0, %add3A : i32
    %c0_i32 = arith.constant 0 : i32
    %c0_i32_1 = arith.constant 0 : i32
    return %c0_i32, %add3A_0 : i32, i32
  }
  func.func @transform_2(%arg0: i32) -> (i32, i32) {
    %c0_i32 = arith.constant 0 : i32
    %c0_i32_0 = arith.constant 0 : i32
    return %arg0, %c0_i32 : i32, i32
  }
}

module attributes {stable_mosaic.version = 14 : i64} {
  func.func @body(%arg0: memref<128x128xf32, #tpu.memory_space<vmem>>, %arg1: memref<128x128xf32, #tpu.memory_space<vmem>>, %arg2: memref<1x1xf32, #tpu.memory_space<vmem>>) attributes {dimension_semantics = [], scalar_prefetch = 0 : i64, scratch_operands = 0 : i64, tpu.core_type = #tpu.core_type<tc>} {
    %get3A = arith.constant 0 : index
    %get3A_0 = arith.constant 0 : index
    %get3A_1 = vector.load %arg1[%get3A, %get3A_0] : memref<128x128xf32, #tpu.memory_space<vmem>>, vector<128x128xf32>
    %min3A = arith.constant 0.000000e+00 : f32
    %min3A_2 = vector.broadcast %min3A : f32 to vector<128x128xf32>
    %min3A_3 = arith.minimumf %get3A_1, %min3A_2 : vector<128x128xf32>
    %abs3A = math.absf %get3A_1 : vector<128x128xf32>
    %neg3A = arith.constant 0.000000e+00 : f32
    %neg3A_4 = vector.broadcast %neg3A : f32 to vector<128x128xf32>
    %neg3A_5 = arith.subf %neg3A_4, %abs3A : vector<128x128xf32>
    %exp3A = math.exp %neg3A_5 : vector<128x128xf32>
    %log1p3A = math.log1p %exp3A : vector<128x128xf32>
    %sub3A = arith.subf %min3A_3, %log1p3A : vector<128x128xf32>
    %get3A_6 = arith.constant 0 : index
    %get3A_7 = arith.constant 0 : index
    %get3A_8 = vector.load %arg0[%get3A_6, %get3A_7] : memref<128x128xf32, #tpu.memory_space<vmem>>, vector<128x128xf32>
    %min3A_9 = arith.constant 0.000000e+00 : f32
    %min3A_10 = vector.broadcast %min3A_9 : f32 to vector<128x128xf32>
    %min3A_11 = arith.minimumf %get3A_8, %min3A_10 : vector<128x128xf32>
    %abs3A_12 = math.absf %get3A_8 : vector<128x128xf32>
    %neg3A_13 = arith.constant 0.000000e+00 : f32
    %neg3A_14 = vector.broadcast %neg3A_13 : f32 to vector<128x128xf32>
    %neg3A_15 = arith.subf %neg3A_14, %abs3A_12 : vector<128x128xf32>
    %exp3A_16 = math.exp %neg3A_15 : vector<128x128xf32>
    %log1p3A_17 = math.log1p %exp3A_16 : vector<128x128xf32>
    %sub3A_18 = arith.subf %min3A_11, %log1p3A_17 : vector<128x128xf32>
    %sub3A_19 = arith.subf %sub3A, %sub3A_18 : vector<128x128xf32>
    %reduce_sum3A = vector.shape_cast %sub3A_19 : vector<128x128xf32> to vector<1x128x128xf32>
    %reduce_sum3A_20 = arith.constant dense<0.000000e+00> : vector<1xf32>
    %reduce_sum3A_21 = vector.multi_reduction <add>, %reduce_sum3A, %reduce_sum3A_20 [1, 2] : vector<1x128x128xf32> to vector<1xf32>
    %reduce_sum3A_22 = vector.shape_cast %reduce_sum3A_21 : vector<1xf32> to vector<1x1x1xf32>
    %reduce_sum3A_23 = vector.extract %reduce_sum3A_22[0, 0, 0] : f32 from vector<1x1x1xf32>
    %mul3A = arith.constant 6.10351563E-5 : f32
    %mul3A_24 = arith.mulf %reduce_sum3A_23, %mul3A : f32
    %reshape3A = vector.broadcast %mul3A_24 : f32 to vector<1x1xf32>
    %swap3A = arith.constant 0 : index
    %swap3A_25 = arith.constant 0 : index
    %swap3A_26 = vector.load %arg2[%swap3A, %swap3A_25] : memref<1x1xf32, #tpu.memory_space<vmem>>, vector<1x1xf32>
    tpu.vector_store %arg2[%swap3A, %swap3A_25], %reshape3A {strides = array<i32>} : memref<1x1xf32, #tpu.memory_space<vmem>>, vector<1x1xf32>,
    return
  }
}

</mosaic_0001>

<sc_bundles>
// kernel: kernel.5.cloned.1.call-start
scs
__scs_entry_jumppad:
0x0: {  	(pc) =	sbr.rel $0x88, $3  }
0x1: {  	(tag) =	ssettag $0x0;
	lr =	simm.s32 $0x1  }
0x2: {  	[smem:$0x3F9B] =	sst lr;
	_ =	strace $0xD0000000  }
0x3: {  	_ = 	snop  }
0x4: {  	_ = 	snop  }
0x5: {  	_ = 	snop  }
0x6: {  	_ = 	snop  }
0x7: {  	_ = 	snop  }
__scs_overlays_trampoline_lowered:
0x8: {  	[smem:$0x3FAA] =	sst s0  }
0x9: {  	[smem:$0x3FAB] =	sst s1  }
0xa: {  	[smem:$0x3FAC] =	sst s2  }
0xb: {  	[smem:$0x3FAD] =	sst s3  }
0xc: {  	[smem:$0x3FAE] =	sst s4  }
0xd: {  	[smem:$0x3FAF] =	sst s5  }
0xe: {  	[smem:$0x3FB0] =	sst s6  }
0xf: {  	[smem:$0x3FB1] =	sst s7  }
0x10: {  	[smem:$0x3FB2] =	sst s8  }
0x11: {  	[smem:$0x3FB3] =	sst s9;
	s0 =	simm.s32 @!p0 $0x0  }
0x12: {  	s1 =	sld [smem:$0x3F99];
	s0 =	simm.s32 @p0 $0x1  }
0x13: {  	[smem:$0x3FB4] =	sst s0;
	s0 =	simm.s32 @!p1 $0x0  }
0x14: {  	s2 =	sld [smem:$0x3F98];
	s0 =	simm.s32 @p1 $0x1  }
0x15: {  	[smem:$0x3FB5] =	sst s0;
	s0 =	simm.s32 @!p2 $0x0  }
0x16: {  	s3 =	sld [smem:$0x3FDB];
	s0 =	simm.s32 @p2 $0x1  }
0x17: {  	s4 =	simm.s32 $0x1BF5;
	[smem:$0x3FB7] =	sst s0  }
0x18: {  	s0 =	sld [smem:$0x3F9A];
	_ =	swait.ge [sflag:s4], $0x0  }
0x19: {  	s7 =	sld [smem:$0x3F9B]  }
0x1a: {  	s8 =	sadd.s32 $0xFFFFE003, lr  }
0x1b: {  	s9 =	sadd.s32 $0xFFFFFEF7, lr;
	s5 =	simm.s32 $0xFFFFFFFF;
	p2 =	slt.u32 s8, $0xFFFFF086  }
0x1c: {  	p1 =	slt.u32 s9, $0xF7A;
	s5 =	simm.s32 @!p2 $0x0  }
0x1d: {  	s5 =	simm.s32 @p1 $0x1;
	p0 =	seq.s32 s7, s2  }
0x1e: {  	s7 =	smul.u32 @!p0 $0xF7A, s2;
	p2 =	seq.s32 @!p0 s5, $0x0  }
0x1f: {  	s9 =	smul.u32 $0xF7A, s1;
	s8 =	simm.s32 @!p0 $0x1BF5;
	p2 =	por !p2, p0  }
0x20: {  	[sflag:s8] =	ssyncset.s32 @!p0 $0xFFFFF086;
	s6 =	sadd.s32 @!p0 s3, s7;
	s7 =	simm.s32 @!p0 $0x108  }
0x21: {  	s3 =	sadd.s32 s3, s9;
	s6 =	sadd.s32 @!p0 $0x88, s6;
	s7 =	simm.s32 @p2 $0x1082  }
0x22: {  	[simem:s7], [sflag:s8] =	dma.local @!p0 [hbm:s6], $0xF7A  }
0x23: {  	s9 =	sor.u32 $0xD0000000, s2;
	s6 =	simm.s32 $0x108;
	_ =	swait.ge @!p0 [sflag:s8], $0x0  }
0x24: {  	s3 =	sadd.s32 $0x88, s3;
	s6 =	simm.s32 @!p1 $0x1082;
	[sflag:s4] =	ssyncset.s32 $0xFFFFF086  }
0x25: {  	[simem:s6], [sflag:s4] =	dma.local [hbm:s3], $0xF7A  }
0x26: {  	[smem:$0x3F9B] =	sst s1;
	(tag) =	ssettag s2;
	_ =	strace s9  }
0x27: {  	s1 =	sld [smem:$0x3FAB]  }
0x28: {  	s2 =	sld [smem:$0x3FAC]  }
0x29: {  	s4 =	sld [smem:$0x3FAE]  }
0x2a: {  	p0 =	seq.s32 s5, $0x0;
	s5 =	sld [smem:$0x3FAF]  }
0x2b: {  	s6 =	sld [smem:$0x3FB0]  }
0x2c: {  	s7 =	sld [smem:$0x3FB1]  }
0x2d: {  	s3 =	simm.s32 $0x108;
	s8 =	sld [smem:$0x3FB2]  }
0x2e: {  	s3 =	simm.s32 @!p0 $0x1082;
	s9 =	sld [smem:$0x3FB3]  }
0x2f: {  	lr =	sadd.s32 s0, s3;
	s0 =	sld [smem:$0x3FAA]  }
0x30: {  	s3 =	sld [smem:$0x3FAD]  }
0x31: {  	[smem:$0x3FB6] =	sst s10  }
0x32: {  	s10 =	sld [smem:$0x3FB4];
	_ =	sdelay $0x3  }
0x33: {  	p0 =	seq.s32 s10, $0x1;
	s10 =	sld [smem:$0x3FB6];
	_ =	sdelay $0x3  }
0x34: {  	[smem:$0x3FB6] =	sst s10  }
0x35: {  	s10 =	sld [smem:$0x3FB5];
	_ =	sdelay $0x3  }
0x36: {  	p1 =	seq.s32 s10, $0x1;
	s10 =	sld [smem:$0x3FB6];
	_ =	sdelay $0x3  }
0x37: {  	[smem:$0x3FB6] =	sst s10  }
0x38: {  	s10 =	sld [smem:$0x3FB7]  }
0x39: {  	_ = 	snop;
	(pc) =	sbr.ind lr, $3  }
0x3a: {  	_ = 	snop  }
0x3b: {  	_ = 	snop  }
0x3c: {  	p2 =	seq.s32 s10, $0x1;
	s10 =	sld [smem:$0x3FB6]  }
0x3d: {  	_ =	shalt  }
0x3e: {  	_ =	shalt  }
0x3f: {  	_ =	shalt  }
0x40: {  	_ =	shalt  }
0x41: {  	_ =	shalt  }
0x42: {  	_ =	shalt  }
0x43: {  	_ =	shalt  }
0x44: {  	_ =	shalt  }
0x45: {  	_ =	shalt  }
0x46: {  	_ =	shalt  }
0x47: {  	_ =	shalt  }
0x48: {  	_ =	shalt  }
0x49: {  	_ =	shalt  }
0x4a: {  	_ =	shalt  }
0x4b: {  	_ =	shalt  }
0x4c: {  	_ =	shalt  }
0x4d: {  	_ =	shalt  }
0x4e: {  	_ =	shalt  }
0x4f: {  	_ =	shalt  }
0x50: {  	_ =	shalt  }
0x51: {  	_ =	shalt  }
0x52: {  	_ =	shalt  }
0x53: {  	_ =	shalt  }
0x54: {  	_ =	shalt  }
0x55: {  	_ =	shalt  }
0x56: {  	_ =	shalt  }
0x57: {  	_ =	shalt  }
0x58: {  	_ =	shalt  }
0x59: {  	_ =	shalt  }
0x5a: {  	_ =	shalt  }
0x5b: {  	_ =	shalt  }
0x5c: {  	_ =	shalt  }
0x5d: {  	_ =	shalt  }
0x5e: {  	_ =	shalt  }
0x5f: {  	_ =	shalt  }
0x60: {  	_ =	shalt  }
0x61: {  	_ =	shalt  }
0x62: {  	_ =	shalt  }
0x63: {  	_ =	shalt  }
0x64: {  	_ =	shalt  }
0x65: {  	_ =	shalt  }
0x66: {  	_ =	shalt  }
0x67: {  	_ =	shalt  }
0x68: {  	_ =	shalt  }
0x69: {  	_ =	shalt  }
0x6a: {  	_ =	shalt  }
0x6b: {  	_ =	shalt  }
0x6c: {  	_ =	shalt  }
0x6d: {  	_ =	shalt  }
0x6e: {  	_ =	shalt  }
0x6f: {  	_ =	shalt  }
0x70: {  	_ =	shalt  }
0x71: {  	_ =	shalt  }
0x72: {  	_ =	shalt  }
0x73: {  	_ =	shalt  }
0x74: {  	_ =	shalt  }
0x75: {  	_ =	shalt  }
0x76: {  	_ =	shalt  }
0x77: {  	_ =	shalt  }
0x78: {  	_ =	shalt  }
0x79: {  	_ =	shalt  }
0x7a: {  	_ =	shalt  }
0x7b: {  	_ =	shalt  }
0x7c: {  	_ =	shalt  }
0x7d: {  	_ =	shalt  }
0x7e: {  	_ =	shalt  }
0x7f: {  	_ =	shalt  }
0x80: {  	_ =	shalt  }
0x81: {  	_ =	shalt  }
0x82: {  	_ =	shalt  }
0x83: {  	_ =	shalt  }
0x84: {  	_ =	shalt  }
0x85: {  	_ =	shalt  }
0x86: {  	_ =	shalt  }
0x87: {  	_ =	shalt  }
.Lfunc_end0:
.L_simem_size_0:
called_computation_lowered:
.L_overlay_start_0:
0x88: {  	s2 =	sld [smem:$0x3FD9]  }
0x89: {  	s3 =	sld [smem:$0x3FFE];
	_ =	sdelay $0x1  }
0x8a: {  	s1 =	srdreg.scid  }
0x8b: {  	s0 =	sand.u32 $0x1, s1  }
0x8c: {  	s17 =	sshll.u32 s0, $0xA;
	s2 =	sadd.s32 s3, s2  }
0x8d: {  	s2 =	sadd.s32 s2, s17  }
0x8e: {  	[smem:$0x3FC2] =	sst s2  }
0x8f: {  	_ = 	snop  }
0x90: {  	s2 =	sld [smem:$0x3FC9]  }
0x91: {  	s18 =	sld [smem:$0x3FC8]  }
0x92: {  	s4 =	sld [smem:$0x3FC7]  }
0x93: {  	s5 =	sld [smem:$0x3FC6];
	(tm) =	ssettm $0x1  }
0x94: {  	s6 =	sld [smem:$0x3FFB];
	_ =	sdelay $0x3  }
0x95: {  	_ =	strace s6  }
0x96: {  	s6 =	sld [smem:$0x3FFC];
	_ =	sdelay $0x3  }
0x97: {  	_ =	strace s6  }
0x98: {  	s6 =	sld [smem:$0x3FFD];
	_ =	sdelay $0x3  }
0x99: {  	_ =	strace s6  }
0x9a: {  	_ =	strace $0x8FFFFFFF  }
0x9b: {  	s19 =	sld [smem:$0x3FDB];
	_ =	sdelay $0x1  }
0x9c: {  	s7 =	simm.s32 $_scs_section_size  }
0x9d: {  	s8 =	simm.s32 $_size__tile_overlayer_lowered;
	s9 =	simm.s32 $_tile_overlayer_lowered  }
0x9e: {  	s22 =	simm.s32 $0x1BFF;
	s21 =	sshll.u32 s9, $0x1;
	s6 =	sadd.s32 s7, s19  }
0x9f: {  	s10 =	simm.s32 $0x0;
	s20 =	sshll.u32 s8, $0x1;
	s8 =	sadd.s32 s21, s6  }
0xa0: {  	[timem:s10], [sflag:s22] =	dma.local [hbm:s8], s20  }
0xa1: {  	_ =	swait.ge [sflag:s22], s20  }
0xa2: {  	s7 =	ssub.s32 $0x0, s20;
	[sflag:s22] =	ssyncset.done $0x0  }
0xa3: {  	[sflag:s22] =	ssyncadd.s32 s7;
	_ =	sdelay $0x1  }
0xa4: {  	s23 =	simm.s32 $0x1B8B  }
0xa5: {  	_ =	swait.ge [sflag:s23], $0x1  }
0xa6: {  	[sflag:s23] =	ssyncset.done $0x0  }
0xa7: {  	s25 =	simm.s32 $0x1B8E;
	s24 =	sld [smem:$0x3FFE];
	[sflag:s23] =	ssyncadd.s32 $0xFFFFFFFF  }
0xa8: {  	s26 =	simm.s32 $execute0_lowered;
	[smem:$0x3FD2] =	sst s25  }
0xa9: {  	s8 =	sshll.u32 s26, $0x1;
	_ =	strace $0x80000046;
	[dreg:$0x1] =	wrdreg $0xFFFFFFFF  }
0xaa: {  	s28 =	simm.s32 $_size_execute0_lowered;
	s6 =	sadd.s32 s6, s8;
	[dreg:$0x0] =	wrdreg $0x0  }
0xab: {  	s8 =	sshll.u32 s28, $0x1;
	[dreg:$0x2] =	wrdreg s6  }
0xac: {  	[dreg:$0x3] =	wrdreg s8  }
0xad: {  	[dreg:$0x4] =	wrdreg $0xC0  }
0xae: {  	_ =	task [dreg:s10], $0x5FFFF  }
0xaf: {  	[dreg:$0x1] =	wrdreg $0xFFFFFFFF  }
0xb0: {  	[dreg:$0x0] =	wrdreg $0x60  }
0xb1: {  	[dreg:$0x2] =	wrdreg s2  }
0xb2: {  	[dreg:$0x3] =	wrdreg s18  }
0xb3: {  	[dreg:$0x4] =	wrdreg s4  }
0xb4: {  	[dreg:$0x5] =	wrdreg s5  }
0xb5: {  	[dreg:$0x6] =	wrdreg s24  }
0xb6: {  	[dreg:$0x7] =	wrdreg $0x9  }
0xb7: {  	_ =	task.clear_ibuf [dreg:s10], $0x8FFFF;
	_ =	strace $0x90000046  }
0xb8: {  	s29 =	simm.s32 $0x9;
	_ =	strace $0x80000048  }
0xb9: {  	_ =	swait.ge [sflag:s29], $0x1  }
0xba: {  	[sflag:s29] =	ssyncadd.s32 $0xFFFFFFFF  }
0xbb: {  	_ =	strace $0x90000048  }
0xbc: {  	_ =	sfence  }
0xbd: {  	s30 =	sld [smem:$0x0];
	_ =	sdelay $0x2  }
0xbe: {  	s31 =	sshll.u32 s1, $0xD;
	s1 =	sshrl.u32 s1, $0x2  }
0xbf: {  	s3 =	sand.u32 $0x4000, s31;
	s1 =	sadd.s32 s1, s30  }
0xc0: {  	s0 =	sor.u32 s3, s0;
	s1 =	sshll.u32 s1, $0x11  }
0xc1: {  	s0 =	sor.u32 s1, s0  }
0xc2: {  	s0 =	sadd.s32 $0x8F2B, s0  }
0xc3: {  	[sflag:s0] =	ssyncadd.remote.s32 $0x1  }
0xc4: {  	_ =	sfence.sel $0xFFFF  }
0xc5: {  	[dreg:$0x0] =	wrdreg $0xFFFFFFFF;
	(pc) =	sbr.abs _section_cstart, $3  }
0xc6: {  	[dreg:$0x1] =	wrdreg $0xFFFFFFFF  }
0xc7: {  	_ =	task.clear_ibuf [dreg:s10], $0x2FFFF;
	_ =	strace $0x9FFFFFFF  }
0xc8: {  	(tm) =	ssettm $0x7FFFFFFF  }
0xc9: {  	_ =	shalt  }
tec
execute0_lowered:
.L_overlay_start_1:
0x0: {  	(tag) =	ssettag $0x1  }
0x1: {  	s0 =	rddreg [dreg:$0x0]  }
0x2: {  	s2 =	rddreg [dreg:$0x1]  }
0x3: {  	s3 =	rddreg [dreg:$0x2];
	s6 =	srdreg.scid  }
0x4: {  	s4 =	rddreg [dreg:$0x3];
	s8 =	stileid.u32;
	s6 =	sand.u32 $0x1, s6  }
0x5: {  	s8 =	sshll.u32 s8, $0x7;
	s7 =	ssub.s32 $0x2, s6;
	s6 =	sshll.u32 s6, $0x6  }
0x6: {  	s5 =	rddreg [dreg:$0x4];
	s1 =	simm.s32 $0x0;
	s6 =	sor.u32 s6, s8  }
0x7: {  	[smem:$0x7FF] =	sst s1;
	s20 =	sadd.s32 s0, s6  }
0x8: {  	s21 =	sadd.s32 s2, s6;
	[dreg:$0x6] =	wrdreg s20  }
0x9: {  	s31 =	simm.s32 $0x18700;
	s22 =	sadd.s32 s3, s6;
	[dreg:$0x7] =	wrdreg s21  }
0xa: {  	s8 =	sadd.s32 $0x881800, s5;
	s11 =	sadd.s32 s4, s6;
	[dreg:$0x8] =	wrdreg s22  }
0xb: {  	s23 =	sor.u32 $0x10, s6;
	s14 =	sadd.s32 s8, s6;
	[dreg:$0x9] =	wrdreg s11  }
0xc: {  	s9 =	sadd.s32 $0x881000, s5;
	s24 =	sadd.s32 s0, s23;
	[dreg:$0xf] =	wrdreg s14  }
0xd: {  	s28 =	sadd.s32 $0xC00, s5;
	s25 =	sadd.s32 s2, s23;
	[dreg:$0xa] =	wrdreg s24  }
0xe: {  	s29 =	sadd.s32 $0x1000, s5;
	s26 =	sadd.s32 s3, s23;
	[dreg:$0xb] =	wrdreg s25  }
0xf: {  	s13 =	sor.u32 $0x20, s6;
	s12 =	sadd.s32 s4, s23;
	[dreg:$0xc] =	wrdreg s26  }
0x10: {  	s10 =	sshrl.u32 s7, $0x1;
	s15 =	sadd.s32 s0, s13;
	[dreg:$0xd] =	wrdreg s12  }
0x11: {  	s5 =	simm.s32 $0x700;
	s16 =	sadd.s32 s2, s13;
	[dreg:$0x10] =	wrdreg s15  }
0x12: {  	s7 =	ssub.s32 s7, s10;
	s17 =	sadd.s32 s9, s23;
	[dreg:$0x11] =	wrdreg s16  }
0x13: {  	s10 =	sadd.s32 s8, s23;
	s19 =	sadd.s32 s3, s13;
	[dreg:$0x12] =	wrdreg s17  }
0x14: {  	s21 =	sadd.s32 s4, s13;
	s23 =	sadd.s32 s9, s13;
	[dreg:$0x13] =	wrdreg s10  }
0x15: {  	s30 =	smax.u32 s7, $0x1;
	s7 =	simm.s32 $0x4700;
	[dreg:$0x16] =	wrdreg s19  }
0x16: {  	s11 =	simm.s32 $0x280;
	s14 =	simm.s32 $0x580;
	[dreg:$0x18] =	wrdreg s21  }
0x17: {  	s12 =	sadd.s32 s9, s6;
	s6 =	sor.u32 $0x30, s6;
	[dreg:$0x1a] =	wrdreg s23  }
0x18: {  	s24 =	sadd.s32 s8, s13;
	s10 =	simm.s32 $0x200;
	s13 =	simm.s32 $0x380  }
0x19: {  	s15 =	simm.s32 $0xC700;
	s16 =	simm.s32 $0x600;
	[dreg:$0xe] =	wrdreg s12  }
0x1a: {  	s17 =	simm.s32 $0x10700;
	s0 =	sadd.s32 s0, s6;
	[dreg:$0x1b] =	wrdreg s24  }
0x1b: {  	s19 =	simm.s32 $0x1;
	s18 =	sadd.s32 s2, s6;
	[dreg:$0x14] =	wrdreg s0  }
0x1c: {  	s21 =	simm.s32 $0x1A780;
	s20 =	sadd.s32 s3, s6;
	[dreg:$0x15] =	wrdreg s18  }
0x1d: {  	s22 =	sadd.s32 s4, s6;
	s25 =	sadd.s32 s9, s6;
	[dreg:$0x17] =	wrdreg s20  }
0x1e: {  	s26 =	sadd.s32 s8, s6;
	s9 =	simm.s32 $0x8700;
	[dreg:$0x19] =	wrdreg s22  }
0x1f: {  	s12 =	simm.s32 $0x300;
	s2 =	simm.s32 $0x14700;
	[dreg:$0x1c] =	wrdreg s25  }
0x20: {  	s3 =	simm.s32 $0x1A700;
	s4 =	simm.s32 $0x2;
	[dreg:$0x1d] =	wrdreg s26  }
0x21: {  	v1 =	vlaneseq.u32;
	s20 =	simm.s32 $0x3;
	s0 =	simm.s32 $0x80;
	s26 =	simm.s32 $0x100  }
0x22: {  	v0 =	vimm.s32 $0x40;
	v1 =	vmul.u32 $0x80, v1;
	s18 =	simm.s32 $0x680;
	s22 =	simm.s32 $0x0;
	_ =	strace $0x80000047  }
.LBB2_1:
0x23: {  	[tilespmem:s31], [sflag:$0x3] =	stream.linear.gather [hbm4b:s28+s1], $0x2000, $0x38;
	[tilespmem:$0x1A800] =	vst v63  }
0x24: {  	_ =	swait.ge [sflag:s20], $0x2000  }
0x25: {  	[sflag:s20] =	ssyncset.done $0x0  }
0x26: {  	s6 =	rddreg [dreg:$0x6];
	[sflag:s20] =	ssyncadd.s32 $0xFFFFE000  }
0x27: {  	[tilespmem:s1], [sflag:$0x3] =	stream.linear.gather [hbm4b:s6+s1], $0x80, $0x38;
	[tilespmem:$0x1A800] =	vst v63  }
0x28: {  	_ =	swait.ge [sflag:s20], $0x80  }
0x29: {  	[sflag:s20] =	ssyncset.done $0x0  }
0x2a: {  	s23 =	rddreg [dreg:$0x7];
	[sflag:s20] =	ssyncadd.s32 $0xFFFFFF80  }
0x2b: {  	[tilespmem:s0], [sflag:$0x3] =	stream.linear.gather [hbm4b:s23+s1], $0x80, $0x38;
	[tilespmem:$0x1A800] =	vst v63  }
0x2c: {  	_ =	swait.ge [sflag:s20], $0x80  }
0x2d: {  	[sflag:s20] =	ssyncset.done $0x0  }
0x2e: {  	s24 =	rddreg [dreg:$0x8];
	[sflag:s20] =	ssyncadd.s32 $0xFFFFFF80  }
0x2f: {  	[tilespmem:s26], [sflag:$0x3] =	stream.linear.gather [hbm4b:s24+s1], $0x80, $0x38;
	[tilespmem:$0x1A800] =	vst v63  }
0x30: {  	_ =	swait.ge [sflag:s20], $0x80  }
0x31: {  	[sflag:s20] =	ssyncset.done $0x0  }
0x32: {  	s8 =	simm.s32 $0x180;
	s25 =	rddreg [dreg:$0x9];
	[sflag:s20] =	ssyncadd.s32 $0xFFFFFF80  }
0x33: {  	[tilespmem:s8], [sflag:$0x3] =	stream.linear.gather [hbm4b:s25+s1], $0x80, $0x38;
	[tilespmem:$0x1A800] =	vst v63  }
0x34: {  	_ =	swait.ge [sflag:s20], $0x80  }
0x35: {  	[sflag:s20] =	ssyncset.done $0x0  }
0x36: {  	[sflag:s20] =	ssyncadd.s32 $0xFFFFFF80  }
0x37: {  	v2 =	vld [tilespmem:$0x0]  }
0x38: {  	v3 =	vld [tilespmem:$0x100]  }
0x39: {  	v4 =	vld [tilespmem:$0x180]  }
0x3a: {  	v5 =	vld [tilespmem:$0x10]  }
0x3b: {  	v6 =	vld [tilespmem:$0x110]  }
0x3c: {  	v8 =	vld [tilespmem:$0x190];
	vm0 =	vlt.s32 v2, $0x88000;
	v7 =	vadd.s32 $0xFFF78000, v2  }
0x3d: {  	v9 =	vld [tilespmem:$0x20];
	vm5 =	vlt.s32 v3, $0x88000;
	v22 =	vadd.s32 $0xFFF78000, v3;
	v2 =	vsel vm0, v2, v7  }
0x3e: {  	v23 =	vld [tilespmem:$0x120];
	vm6 =	vlt.s32 v4, $0x88000;
	[tilespmem:$0x400] =	vst v2;
	v2 =	vsel vm5, v3, v22;
	v3 =	vadd.s32 $0xFFF78000, v4  }
0x3f: {  	v24 =	vld [tilespmem:$0x1A0];
	vm7 =	vlt.s32 v5, $0x88000;
	[tilespmem:$0x480] =	vst v2;
	v2 =	vsel vm6, v4, v3;
	v3 =	vadd.s32 $0xFFF78000, v5  }
0x40: {  	v25 =	vld [tilespmem:$0x30];
	vm8 =	vlt.s32 v6, $0x88000;
	[tilespmem:$0x500] =	vst v2;
	v2 =	vsel vm7, v5, v3;
	v3 =	vadd.s32 $0xFFF78000, v6  }
0x41: {  	v26 =	vld [tilespmem:$0x130];
	vm9 =	vlt.s32 v8, $0x88000;
	[tilespmem:$0x410] =	vst v2;
	v2 =	vsel vm8, v6, v3;
	v3 =	vadd.s32 $0xFFF78000, v8  }
0x42: {  	v27 =	vld [tilespmem:$0x1B0];
	vm10 =	vlt.s32 v9, $0x88000;
	[tilespmem:$0x490] =	vst v2;
	v2 =	vsel vm9, v8, v3;
	v3 =	vadd.s32 $0xFFF78000, v9  }
0x43: {  	v28 =	vld [tilespmem:$0x40];
	vm11 =	vlt.s32 v23, $0x88000;
	[tilespmem:$0x510] =	vst v2;
	v2 =	vsel vm10, v9, v3;
	v3 =	vadd.s32 $0xFFF78000, v23  }
0x44: {  	v29 =	vld [tilespmem:$0x140];
	vm12 =	vlt.s32 v24, $0x88000;
	[tilespmem:$0x420] =	vst v2;
	v2 =	vsel vm11, v23, v3;
	v3 =	vadd.s32 $0xFFF78000, v24  }
0x45: {  	v30 =	vld [tilespmem:$0x1C0];
	vm13 =	vlt.s32 v25, $0x88000;
	[tilespmem:$0x4A0] =	vst v2;
	v2 =	vsel vm12, v24, v3;
	v3 =	vadd.s32 $0xFFF78000, v25  }
0x46: {  	v31 =	vld [tilespmem:$0x50];
	vm14 =	vlt.s32 v26, $0x88000;
	[tilespmem:$0x520] =	vst v2;
	v2 =	vsel vm13, v25, v3;
	v3 =	vadd.s32 $0xFFF78000, v26  }
0x47: {  	v32 =	vld [tilespmem:$0x150];
	vm15 =	vlt.s32 v27, $0x88000;
	[tilespmem:$0x430] =	vst v2;
	v2 =	vsel vm14, v26, v3;
	v3 =	vadd.s32 $0xFFF78000, v27  }
0x48: {  	v33 =	vld [tilespmem:$0x1D0];
	vm4 =	vlt.s32 v28, $0x88000;
	[tilespmem:$0x4B0] =	vst v2;
	v2 =	vsel vm15, v27, v3;
	v3 =	vadd.s32 $0xFFF78000, v28  }
0x49: {  	v34 =	vld [tilespmem:$0x60];
	vm5 =	vlt.s32 v29, $0x88000;
	[tilespmem:$0x530] =	vst v2;
	v2 =	vsel vm4, v28, v3;
	v3 =	vadd.s32 $0xFFF78000, v29  }
0x4a: {  	v35 =	vld [tilespmem:$0x160];
	vm6 =	vlt.s32 v30, $0x88000;
	[tilespmem:$0x440] =	vst v2;
	v2 =	vsel vm5, v29, v3;
	v3 =	vadd.s32 $0xFFF78000, v30  }
0x4b: {  	v36 =	vld [tilespmem:$0x1E0];
	vm7 =	vlt.s32 v31, $0x88000;
	[tilespmem:$0x4C0] =	vst v2;
	v2 =	vsel vm6, v30, v3;
	v3 =	vadd.s32 $0xFFF78000, v31  }
0x4c: {  	v37 =	vld [tilespmem:$0x70];
	vm8 =	vlt.s32 v32, $0x88000;
	[tilespmem:$0x540] =	vst v2;
	v2 =	vsel vm7, v31, v3;
	v3 =	vadd.s32 $0xFFF78000, v32  }
0x4d: {  	v38 =	vld [tilespmem:$0x170];
	vm9 =	vlt.s32 v33, $0x88000;
	[tilespmem:$0x450] =	vst v2;
	v2 =	vsel vm8, v32, v3;
	v3 =	vadd.s32 $0xFFF78000, v33  }
0x4e: {  	v39 =	vld [tilespmem:$0x1F0];
	vm10 =	vlt.s32 v34, $0x88000;
	[tilespmem:$0x4D0] =	vst v2;
	v2 =	vsel vm9, v33, v3;
	v3 =	vadd.s32 $0xFFF78000, v34  }
0x4f: {  	vm11 =	vlt.s32 v35, $0x88000;
	[tilespmem:$0x550] =	vst v2;
	v2 =	vsel vm10, v34, v3;
	v3 =	vadd.s32 $0xFFF78000, v35  }
0x50: {  	vm12 =	vlt.s32 v36, $0x88000;
	[tilespmem:$0x460] =	vst v2;
	v2 =	vsel vm11, v35, v3;
	v3 =	vadd.s32 $0xFFF78000, v36  }
0x51: {  	vm13 =	vlt.s32 v37, $0x88000;
	[tilespmem:$0x4E0] =	vst v2;
	v2 =	vsel vm12, v36, v3;
	v3 =	vadd.s32 $0xFFF78000, v37  }
0x52: {  	vm14 =	vlt.s32 v38, $0x88000;
	[tilespmem:$0x560] =	vst v2;
	v2 =	vsel vm13, v37, v3;
	v3 =	vadd.s32 $0xFFF78000, v38  }
0x53: {  	vm15 =	vlt.s32 v39, $0x88000;
	[tilespmem:$0x470] =	vst v2;
	v2 =	vsel vm14, v38, v3;
	v3 =	vadd.s32 $0xFFF78000, v39  }
0x54: {  	[tilespmem:$0x4F0] =	vst v2;
	v2 =	vsel vm15, v39, v3  }
0x55: {  	s23 =	simm.s32 $0x400;
	[tilespmem:$0x570] =	vst v2  }
0x56: {  	[tilespmem:s5], [sflag:$0x1] =	stream.indirect.gather [hbm4b:s29+s0], $0x80, s23, s0, $0xb8;
	[tilespmem:$0x1A800] =	vst v63  }
0x57: {  	s24 =	simm.s32 $0x480  }
0x58: {  	[tilespmem:s7], [sflag:$0x1] =	stream.indirect.gather [hbm4b:s29+s0], $0x80, s24, s0, $0xb8;
	[tilespmem:$0x1A800] =	vst v63  }
0x59: {  	s25 =	simm.s32 $0x500  }
0x5a: {  	[tilespmem:s9], [sflag:$0x1] =	stream.indirect.gather [hbm4b:s29+s0], $0x80, s25, s0, $0xb8;
	[tilespmem:$0x1A800] =	vst v63  }
0x5b: {  	s8 =	rddreg [dreg:$0xa]  }
0x5c: {  	[tilespmem:s10], [sflag:$0x3] =	stream.linear.gather [hbm4b:s8+s1], $0x80, $0x38;
	[tilespmem:$0x1A800] =	vst v63  }
0x5d: {  	_ =	swait.ge [sflag:s20], $0x80  }
0x5e: {  	[sflag:s20] =	ssyncset.done $0x0  }
0x5f: {  	s23 =	rddreg [dreg:$0xb];
	[sflag:s20] =	ssyncadd.s32 $0xFFFFFF80  }
0x60: {  	[tilespmem:s11], [sflag:$0x3] =	stream.linear.gather [hbm4b:s23+s1], $0x80, $0x38;
	[tilespmem:$0x1A800] =	vst v63  }
0x61: {  	_ =	swait.ge [sflag:s20], $0x80  }
0x62: {  	[sflag:s20] =	ssyncset.done $0x0  }
0x63: {  	s24 =	rddreg [dreg:$0xc];
	[sflag:s20] =	ssyncadd.s32 $0xFFFFFF80  }
0x64: {  	[tilespmem:s12], [sflag:$0x3] =	stream.linear.gather [hbm4b:s24+s1], $0x80, $0x38;
	[tilespmem:$0x1A800] =	vst v63  }
0x65: {  	_ =	swait.ge [sflag:s20], $0x80  }
0x66: {  	[sflag:s20] =	ssyncset.done $0x0  }
0x67: {  	s25 =	rddreg [dreg:$0xd];
	[sflag:s20] =	ssyncadd.s32 $0xFFFFFF80  }
0x68: {  	[tilespmem:s13], [sflag:$0x3] =	stream.linear.gather [hbm4b:s25+s1], $0x80, $0x38;
	[tilespmem:$0x1A800] =	vst v63  }
0x69: {  	_ =	swait.ge [sflag:s20], $0x80  }
0x6a: {  	[sflag:s20] =	ssyncset.done $0x0  }
0x6b: {  	[sflag:s20] =	ssyncadd.s32 $0xFFFFFF80  }
0x6c: {  	v2 =	vld [tilespmem:$0x200]  }
0x6d: {  	v3 =	vld [tilespmem:$0x300]  }
0x6e: {  	v40 =	vld [tilespmem:$0x380]  }
0x6f: {  	v41 =	vld [tilespmem:$0x210]  }
0x70: {  	v42 =	vld [tilespmem:$0x310]  }
0x71: {  	v44 =	vld [tilespmem:$0x390];
	vm4 =	vlt.s32 v2, $0x88000;
	v43 =	vadd.s32 $0xFFF78000, v2  }
0x72: {  	v46 =	vld [tilespmem:$0x220];
	vm5 =	vlt.s32 v3, $0x88000;
	v45 =	vadd.s32 $0xFFF78000, v3;
	v2 =	vsel vm4, v2, v43  }
0x73: {  	v47 =	vld [tilespmem:$0x320];
	vm6 =	vlt.s32 v40, $0x88000;
	[tilespmem:$0x580] =	vst v2;
	v2 =	vsel vm5, v3, v45;
	v3 =	vadd.s32 $0xFFF78000, v40  }
0x74: {  	v48 =	vld [tilespmem:$0x3A0];
	vm7 =	vlt.s32 v41, $0x88000;
	[tilespmem:$0x600] =	vst v2;
	v2 =	vsel vm6, v40, v3;
	v3 =	vadd.s32 $0xFFF78000, v41  }
0x75: {  	v49 =	vld [tilespmem:$0x230];
	vm8 =	vlt.s32 v42, $0x88000;
	[tilespmem:$0x680] =	vst v2;
	v2 =	vsel vm7, v41, v3;
	v3 =	vadd.s32 $0xFFF78000, v42  }
0x76: {  	v50 =	vld [tilespmem:$0x330];
	vm9 =	vlt.s32 v44, $0x88000;
	[tilespmem:$0x590] =	vst v2;
	v2 =	vsel vm8, v42, v3;
	v3 =	vadd.s32 $0xFFF78000, v44  }
0x77: {  	v51 =	vld [tilespmem:$0x3B0];
	vm10 =	vlt.s32 v46, $0x88000;
	[tilespmem:$0x610] =	vst v2;
	v2 =	vsel vm9, v44, v3;
	v3 =	vadd.s32 $0xFFF78000, v46  }
0x78: {  	v52 =	vld [tilespmem:$0x240];
	vm11 =	vlt.s32 v47, $0x88000;
	[tilespmem:$0x690] =	vst v2;
	v2 =	vsel vm10, v46, v3;
	v3 =	vadd.s32 $0xFFF78000, v47  }
0x79: {  	v53 =	vld [tilespmem:$0x340];
	vm12 =	vlt.s32 v48, $0x88000;
	[tilespmem:$0x5A0] =	vst v2;
	v2 =	vsel vm11, v47, v3;
	v3 =	vadd.s32 $0xFFF78000, v48  }
0x7a: {  	v54 =	vld [tilespmem:$0x3C0];
	vm13 =	vlt.s32 v49, $0x88000;
	[tilespmem:$0x620] =	vst v2;
	v2 =	vsel vm12, v48, v3;
	v3 =	vadd.s32 $0xFFF78000, v49  }
0x7b: {  	v55 =	vld [tilespmem:$0x250];
	vm14 =	vlt.s32 v50, $0x88000;
	[tilespmem:$0x6A0] =	vst v2;
	v2 =	vsel vm13, v49, v3;
	v3 =	vadd.s32 $0xFFF78000, v50  }
0x7c: {  	v56 =	vld [tilespmem:$0x350];
	vm15 =	vlt.s32 v51, $0x88000;
	[tilespmem:$0x5B0] =	vst v2;
	v2 =	vsel vm14, v50, v3;
	v3 =	vadd.s32 $0xFFF78000, v51  }
0x7d: {  	v57 =	vld [tilespmem:$0x3D0];
	vm4 =	vlt.s32 v52, $0x88000;
	[tilespmem:$0x630] =	vst v2;
	v2 =	vsel vm15, v51, v3;
	v3 =	vadd.s32 $0xFFF78000, v52  }
0x7e: {  	v58 =	vld [tilespmem:$0x260];
	vm5 =	vlt.s32 v53, $0x88000;
	[tilespmem:$0x6B0] =	vst v2;
	v2 =	vsel vm4, v52, v3;
	v3 =	vadd.s32 $0xFFF78000, v53  }
0x7f: {  	v59 =	vld [tilespmem:$0x360];
	vm6 =	vlt.s32 v54, $0x88000;
	[tilespmem:$0x5C0] =	vst v2;
	v2 =	vsel vm5, v53, v3;
	v3 =	vadd.s32 $0xFFF78000, v54  }
0x80: {  	v60 =	vld [tilespmem:$0x3E0];
	vm7 =	vlt.s32 v55, $0x88000;
	[tilespmem:$0x640] =	vst v2;
	v2 =	vsel vm6, v54, v3;
	v3 =	vadd.s32 $0xFFF78000, v55  }
0x81: {  	v61 =	vld [tilespmem:$0x270];
	vm8 =	vlt.s32 v56, $0x88000;
	[tilespmem:$0x6C0] =	vst v2;
	v2 =	vsel vm7, v55, v3;
	v3 =	vadd.s32 $0xFFF78000, v56  }
0x82: {  	v62 =	vld [tilespmem:$0x370];
	vm9 =	vlt.s32 v57, $0x88000;
	[tilespmem:$0x5D0] =	vst v2;
	v2 =	vsel vm8, v56, v3;
	v3 =	vadd.s32 $0xFFF78000, v57  }
0x83: {  	v63 =	vld [tilespmem:$0x3F0];
	vm10 =	vlt.s32 v58, $0x88000;
	[tilespmem:$0x650] =	vst v2;
	v2 =	vsel vm9, v57, v3;
	v3 =	vadd.s32 $0xFFF78000, v58  }
0x84: {  	vm11 =	vlt.s32 v59, $0x88000;
	[tilespmem:$0x6D0] =	vst v2;
	v2 =	vsel vm10, v58, v3;
	v3 =	vadd.s32 $0xFFF78000, v59  }
0x85: {  	vm12 =	vlt.s32 v60, $0x88000;
	[tilespmem:$0x5E0] =	vst v2;
	v2 =	vsel vm11, v59, v3;
	v3 =	vadd.s32 $0xFFF78000, v60  }
0x86: {  	vm13 =	vlt.s32 v61, $0x88000;
	[tilespmem:$0x660] =	vst v2;
	v2 =	vsel vm12, v60, v3;
	v3 =	vadd.s32 $0xFFF78000, v61  }
0x87: {  	vm14 =	vlt.s32 v62, $0x88000;
	[tilespmem:$0x6E0] =	vst v2;
	v2 =	vsel vm13, v61, v3;
	v3 =	vadd.s32 $0xFFF78000, v62  }
0x88: {  	vm15 =	vlt.s32 v63, $0x88000;
	[tilespmem:$0x5F0] =	vst v2;
	v2 =	vsel vm14, v62, v3;
	v3 =	vadd.s32 $0xFFF78000, v63  }
0x89: {  	[tilespmem:$0x670] =	vst v2;
	v2 =	vsel vm15, v63, v3  }
0x8a: {  	[tilespmem:$0x6F0] =	vst v2  }
0x8b: {  	[tilespmem:s15], [sflag:$0x2] =	stream.indirect.gather [hbm4b:s29+s0], $0x80, s14, s0, $0xb8;
	[tilespmem:$0x1A800] =	vst v63  }
0x8c: {  	_ = 	snop  }
0x8d: {  	[tilespmem:s17], [sflag:$0x2] =	stream.indirect.gather [hbm4b:s29+s0], $0x80, s16, s0, $0xb8;
	[tilespmem:$0x1A800] =	vst v63  }
0x8e: {  	_ = 	snop  }
0x8f: {  	[tilespmem:s2], [sflag:$0x2] =	stream.indirect.gather [hbm4b:s29+s0], $0x80, s18, s0, $0xb8;
	[tilespmem:$0x1A800] =	vst v63  }
0x90: {  	_ =	swait.ge [sflag:s19], $0x4000  }
0x91: {  	[sflag:s19] =	ssyncset.done $0x0  }
0x92: {  	[sflag:s19] =	ssyncadd.s32 $0xFFFFC000  }
0x93: {  	_ =	swait.ge [sflag:s19], $0x4000  }
0x94: {  	[sflag:s19] =	ssyncset.done $0x0  }
0x95: {  	[sflag:s19] =	ssyncadd.s32 $0xFFFFC000  }
0x96: {  	_ =	swait.ge [sflag:s19], $0x4000  }
0x97: {  	[sflag:s19] =	ssyncset.done $0x0  }
0x98: {  	s23 =	simm.s32 $0x0;
	[sflag:s19] =	ssyncadd.s32 $0xFFFFC000  }
.LBB2_2:
0x99: {  	s6 =	sshll.u32 s23, $0x4  }
0x9a: {  	v2 =	vld [tilespmem:s6+$0x0]  }
0x9b: {  	v3 =	vld [tilespmem:s6+$0x100]  }
0x9c: {  	v4 =	vld [tilespmem:s6+$0x180]  }
0x9d: {  	v6 =	vld [tilespmem:s6+$0x80]  }
0x9e: {  	v5 =	vmov s6  }
0x9f: {  	v5 =	vshll.u32 v5, $0x7  }
0xa0: {  	v5 =	vor.u32 v1, v5;
	vm0 =	vlt.s32 v2, $0x88000  }
0xa1: {  	vm15 =	vlt.s32 v3, $0x88000;
	vm1 =	vlt.s32 v4, $0x88000;
	v2 =	vsel vm0, $0x0, v0  }
0xa2: {  	s8 =	simm.s32 $0x0;
	v8 =	vshll.u32 v6, $0x7;
	v3 =	vsel vm15, $0x0, v0;
	v2 =	vor.u32 v2, v5  }
0xa3: {  	v4 =	vsel vm1, $0x0, v0;
	v3 =	vor.u32 v3, v5;
	v7 =	vor.u32 s8, v2  }
0xa4: {  	v4 =	vor.u32 v4, v5;
	v5 =	vor.u32 s8, v3  }
0xa5: {  	v9 =	vor.u32 s8, v4  }
0xa6: {  	s24 =	simm.s32 $0x1  }
0xa7: {  	v10 =	vor.u32 $0x1, v8;
	v11 =	vor.u32 s24, v2;
	v6 =	vld.idx.msk [tilespmem:v8+s31+$0x0], $0xffff  }
0xa8: {  	v14 =	vadd.s32 s8, v10;
	v15 =	vld.idx.msk [tilespmem:v7+s5+$0x0], $0xffff  }
0xa9: {  	v12 =	vor.u32 s24, v3;
	v7 =	vld.idx.msk [tilespmem:v5+s7+$0x0], $0xffff  }
0xaa: {  	v13 =	vor.u32 s24, v4;
	v8 =	vld.idx.msk [tilespmem:v9+s9+$0x0], $0xffff;
	_ =	sdelay $0x1  }
0xab: {  	s25 =	simm.s32 $0x2;
	v5 =	vimm.f32 $0.0e+00;
	v11 =	vld.idx.msk [tilespmem:v11+s5+$0x0], $0xffff;
	v9 =	vimm.f32 $0.0e+00  }
.LBB2_3:
0xac: {  	v16 =	vor.u32 s25, v2;
	v15 =	vadd.f32 v6, v15;
	v6 =	vld.idx.msk [tilespmem:v14+s31+$0x0], $0xffff;
	s8 =	smov.u32 s25;
	p0 =	sne.s32 s25, $0x3F  }
.Ltmp0:
0xad: {  	s25 =	sadd.s32 $0x1, s25;
	v14 =	vadd.s32 s24, v10;
	v17 =	vmov v7;
	v7 =	vld.idx.msk [tilespmem:v12+s7+$0x0], $0xffff;
	(pc) =	sbr.rel @p0 .LBB2_3-.Ltmp0, $4  }
0xae: {  	v12 =	vor.u32 s8, v3;
	s24 =	smov.u32 s8;
	v17 =	vmul.f32 v17, v15;
	v18 =	vmul.f32 v8, v15;
	v8 =	vld.idx.msk [tilespmem:v13+s9+$0x0], $0xffff  }
0xaf: {  	v13 =	vor.u32 s24, v4  }
0xb0: {  	v5 =	vadd.f32 v17, v5;
	v9 =	vadd.f32 v18, v9  }
0xb1: {  	v15 =	vmov v11;
	v11 =	vld.idx.msk [tilespmem:v16+s5+$0x0], $0xffff  }
0xb2: {  	_ =	sdelay $0x3  }
0xb3: {  	v2 =	vld.idx.msk [tilespmem:v14+s31+$0x0], $0xffff;
	_ =	sdelay $0x1  }
0xb4: {  	v3 =	vld.idx.msk [tilespmem:v12+s7+$0x0], $0xffff  }
0xb5: {  	v4 =	vadd.f32 v6, v15;
	v63 =	vld.idx.msk [tilespmem:v13+s9+$0x0], $0xffff;
	_ =	sdelay $0x1  }
0xb6: {  	v7 =	vmul.f32 v7, v4;
	v2 =	vadd.f32 v2, v11  }
0xb7: {  	s23 =	sadd.s32 $0x1, s23;
	v4 =	vmul.f32 v8, v4  }
0xb8: {  	p0 =	sne.s32 s23, $0x8;
	v5 =	vadd.f32 v7, v5;
	v3 =	vmul.f32 v3, v2  }
.Ltmp1:
0xb9: {  	v4 =	vadd.f32 v4, v9;
	v2 =	vmul.f32 v63, v2;
	(pc) =	sbr.rel @p0 .LBB2_2-.Ltmp1, $4  }
0xba: {  	v3 =	vadd.f32 v3, v5  }
0xbb: {  	v2 =	vadd.f32 v2, v4  }
0xbc: {  	[tilespmem:s6+$0x1A700] =	vst v3  }
0xbd: {  	[tilespmem:s6+$0x1A780] =	vst v2  }
0xbe: {  	s23 =	simm.s32 $0x0;
	s6 =	rddreg [dreg:$0xe]  }
0xbf: {  	[hbm4b:s6+s23] =	stream.linear.scatter [tilespmem:s3], [sflag:$0x3], $0x80, $0x38;
	[tilespmem:$0x1A800] =	vst v63  }
0xc0: {  	_ =	swait.ge [sflag:s20], $0x80  }
0xc1: {  	[sflag:s20] =	ssyncset.done $0x0  }
0xc2: {  	s25 =	rddreg [dreg:$0xf];
	[sflag:s20] =	ssyncadd.s32 $0xFFFFFF80  }
0xc3: {  	[hbm4b:s25+s23] =	stream.linear.scatter [tilespmem:s21], [sflag:$0x3], $0x80, $0x38;
	[tilespmem:$0x1A800] =	vst v63  }
0xc4: {  	_ =	swait.ge [sflag:s20], $0x80  }
0xc5: {  	[sflag:s20] =	ssyncset.done $0x0  }
0xc6: {  	s8 =	rddreg [dreg:$0x10];
	[sflag:s20] =	ssyncadd.s32 $0xFFFFFF80  }
0xc7: {  	[tilespmem:s23], [sflag:$0x3] =	stream.linear.gather [hbm4b:s8+s23], $0x80, $0x38;
	[tilespmem:$0x1A800] =	vst v63  }
0xc8: {  	_ =	swait.ge [sflag:s20], $0x80  }
0xc9: {  	[sflag:s20] =	ssyncset.done $0x0  }
0xca: {  	s24 =	rddreg [dreg:$0x11];
	[sflag:s20] =	ssyncadd.s32 $0xFFFFFF80  }
0xcb: {  	[tilespmem:s0], [sflag:$0x3] =	stream.linear.gather [hbm4b:s24+s23], $0x80, $0x38;
	[tilespmem:$0x1A800] =	vst v63  }
0xcc: {  	_ =	swait.ge [sflag:s20], $0x80  }
0xcd: {  	[sflag:s20] =	ssyncset.done $0x0  }
0xce: {  	s25 =	rddreg [dreg:$0x16];
	[sflag:s20] =	ssyncadd.s32 $0xFFFFFF80  }
0xcf: {  	[tilespmem:s26], [sflag:$0x3] =	stream.linear.gather [hbm4b:s25+s23], $0x80, $0x38;
	[tilespmem:$0x1A800] =	vst v63  }
0xd0: {  	_ =	swait.ge [sflag:s20], $0x80  }
0xd1: {  	[sflag:s20] =	ssyncset.done $0x0  }
0xd2: {  	s8 =	simm.s32 $0x180;
	s26 =	rddreg [dreg:$0x18];
	[sflag:s20] =	ssyncadd.s32 $0xFFFFFF80  }
0xd3: {  	[tilespmem:s8], [sflag:$0x3] =	stream.linear.gather [hbm4b:s26+s23], $0x80, $0x38;
	[tilespmem:$0x1A800] =	vst v63  }
0xd4: {  	_ =	swait.ge [sflag:s20], $0x80  }
0xd5: {  	[sflag:s20] =	ssyncset.done $0x0  }
0xd6: {  	[sflag:s20] =	ssyncadd.s32 $0xFFFFFF80  }
0xd7: {  	v2 =	vld [tilespmem:$0x0]  }
0xd8: {  	v3 =	vld [tilespmem:$0x100]  }
0xd9: {  	v4 =	vld [tilespmem:$0x180]  }
0xda: {  	v5 =	vld [tilespmem:$0x10]  }
0xdb: {  	v6 =	vld [tilespmem:$0x110]  }
0xdc: {  	v8 =	vld [tilespmem:$0x190];
	vm0 =	vlt.s32 v2, $0x88000;
	v7 =	vadd.s32 $0xFFF78000, v2  }
0xdd: {  	v9 =	vld [tilespmem:$0x20];
	vm5 =	vlt.s32 v3, $0x88000;
	v46 =	vadd.s32 $0xFFF78000, v3;
	v2 =	vsel vm0, v2, v7  }
0xde: {  	v47 =	vld [tilespmem:$0x120];
	vm6 =	vlt.s32 v4, $0x88000;
	[tilespmem:$0x400] =	vst v2;
	v2 =	vsel vm5, v3, v46;
	v3 =	vadd.s32 $0xFFF78000, v4  }
0xdf: {  	v48 =	vld [tilespmem:$0x1A0];
	vm7 =	vlt.s32 v5, $0x88000;
	[tilespmem:$0x480] =	vst v2;
	v2 =	vsel vm6, v4, v3;
	v3 =	vadd.s32 $0xFFF78000, v5  }
0xe0: {  	v49 =	vld [tilespmem:$0x30];
	vm8 =	vlt.s32 v6, $0x88000;
	[tilespmem:$0x500] =	vst v2;
	v2 =	vsel vm7, v5, v3;
	v3 =	vadd.s32 $0xFFF78000, v6  }
0xe1: {  	v50 =	vld [tilespmem:$0x130];
	vm9 =	vlt.s32 v8, $0x88000;
	[tilespmem:$0x410] =	vst v2;
	v2 =	vsel vm8, v6, v3;
	v3 =	vadd.s32 $0xFFF78000, v8  }
0xe2: {  	v51 =	vld [tilespmem:$0x1B0];
	vm10 =	vlt.s32 v9, $0x88000;
	[tilespmem:$0x490] =	vst v2;
	v2 =	vsel vm9, v8, v3;
	v3 =	vadd.s32 $0xFFF78000, v9  }
0xe3: {  	v52 =	vld [tilespmem:$0x40];
	vm11 =	vlt.s32 v47, $0x88000;
	[tilespmem:$0x510] =	vst v2;
	v2 =	vsel vm10, v9, v3;
	v3 =	vadd.s32 $0xFFF78000, v47  }
0xe4: {  	v53 =	vld [tilespmem:$0x140];
	vm12 =	vlt.s32 v48, $0x88000;
	[tilespmem:$0x420] =	vst v2;
	v2 =	vsel vm11, v47, v3;
	v3 =	vadd.s32 $0xFFF78000, v48  }
0xe5: {  	v54 =	vld [tilespmem:$0x1C0];
	vm13 =	vlt.s32 v49, $0x88000;
	[tilespmem:$0x4A0] =	vst v2;
	v2 =	vsel vm12, v48, v3;
	v3 =	vadd.s32 $0xFFF78000, v49  }
0xe6: {  	v55 =	vld [tilespmem:$0x50];
	vm14 =	vlt.s32 v50, $0x88000;
	[tilespmem:$0x520] =	vst v2;
	v2 =	vsel vm13, v49, v3;
	v3 =	vadd.s32 $0xFFF78000, v50  }
0xe7: {  	v56 =	vld [tilespmem:$0x150];
	vm15 =	vlt.s32 v51, $0x88000;
	[tilespmem:$0x430] =	vst v2;
	v2 =	vsel vm14, v50, v3;
	v3 =	vadd.s32 $0xFFF78000, v51  }
0xe8: {  	v57 =	vld [tilespmem:$0x1D0];
	vm4 =	vlt.s32 v52, $0x88000;
	[tilespmem:$0x4B0] =	vst v2;
	v2 =	vsel vm15, v51, v3;
	v3 =	vadd.s32 $0xFFF78000, v52  }
0xe9: {  	v58 =	vld [tilespmem:$0x60];
	vm5 =	vlt.s32 v53, $0x88000;
	[tilespmem:$0x530] =	vst v2;
	v2 =	vsel vm4, v52, v3;
	v3 =	vadd.s32 $0xFFF78000, v53  }
0xea: {  	v59 =	vld [tilespmem:$0x160];
	vm6 =	vlt.s32 v54, $0x88000;
	[tilespmem:$0x440] =	vst v2;
	v2 =	vsel vm5, v53, v3;
	v3 =	vadd.s32 $0xFFF78000, v54  }
0xeb: {  	v60 =	vld [tilespmem:$0x1E0];
	vm7 =	vlt.s32 v55, $0x88000;
	[tilespmem:$0x4C0] =	vst v2;
	v2 =	vsel vm6, v54, v3;
	v3 =	vadd.s32 $0xFFF78000, v55  }
0xec: {  	v61 =	vld [tilespmem:$0x70];
	vm8 =	vlt.s32 v56, $0x88000;
	[tilespmem:$0x540] =	vst v2;
	v2 =	vsel vm7, v55, v3;
	v3 =	vadd.s32 $0xFFF78000, v56  }
0xed: {  	v62 =	vld [tilespmem:$0x170];
	vm9 =	vlt.s32 v57, $0x88000;
	[tilespmem:$0x450] =	vst v2;
	v2 =	vsel vm8, v56, v3;
	v3 =	vadd.s32 $0xFFF78000, v57  }
0xee: {  	v63 =	vld [tilespmem:$0x1F0];
	vm10 =	vlt.s32 v58, $0x88000;
	[tilespmem:$0x4D0] =	vst v2;
	v2 =	vsel vm9, v57, v3;
	v3 =	vadd.s32 $0xFFF78000, v58  }
0xef: {  	vm11 =	vlt.s32 v59, $0x88000;
	[tilespmem:$0x550] =	vst v2;
	v2 =	vsel vm10, v58, v3;
	v3 =	vadd.s32 $0xFFF78000, v59  }
0xf0: {  	vm12 =	vlt.s32 v60, $0x88000;
	[tilespmem:$0x460] =	vst v2;
	v2 =	vsel vm11, v59, v3;
	v3 =	vadd.s32 $0xFFF78000, v60  }
0xf1: {  	vm13 =	vlt.s32 v61, $0x88000;
	[tilespmem:$0x4E0] =	vst v2;
	v2 =	vsel vm12, v60, v3;
	v3 =	vadd.s32 $0xFFF78000, v61  }
0xf2: {  	vm14 =	vlt.s32 v62, $0x88000;
	[tilespmem:$0x560] =	vst v2;
	v2 =	vsel vm13, v61, v3;
	v3 =	vadd.s32 $0xFFF78000, v62  }
0xf3: {  	vm15 =	vlt.s32 v63, $0x88000;
	[tilespmem:$0x470] =	vst v2;
	v2 =	vsel vm14, v62, v3;
	v3 =	vadd.s32 $0xFFF78000, v63  }
0xf4: {  	[tilespmem:$0x4F0] =	vst v2;
	v2 =	vsel vm15, v63, v3  }
0xf5: {  	s24 =	simm.s32 $0x400;
	[tilespmem:$0x570] =	vst v2  }
0xf6: {  	[tilespmem:s5], [sflag:$0x1] =	stream.indirect.gather [hbm4b:s29+s0], $0x80, s24, s0, $0xb8;
	[tilespmem:$0x1A800] =	vst v63  }
0xf7: {  	s25 =	simm.s32 $0x480  }
0xf8: {  	[tilespmem:s7], [sflag:$0x1] =	stream.indirect.gather [hbm4b:s29+s0], $0x80, s25, s0, $0xb8;
	[tilespmem:$0x1A800] =	vst v63  }
0xf9: {  	s26 =	simm.s32 $0x500  }
0xfa: {  	[tilespmem:s9], [sflag:$0x1] =	stream.indirect.gather [hbm4b:s29+s0], $0x80, s26, s0, $0xb8;
	[tilespmem:$0x1A800] =	vst v63  }
0xfb: {  	_ =	swait.ge [sflag:s4], $0x4000  }
0xfc: {  	[sflag:s4] =	ssyncset.done $0x0  }
0xfd: {  	[sflag:s4] =	ssyncadd.s32 $0xFFFFC000  }
0xfe: {  	_ =	swait.ge [sflag:s4], $0x4000  }
0xff: {  	[sflag:s4] =	ssyncset.done $0x0  }
0x100: {  	[sflag:s4] =	ssyncadd.s32 $0xFFFFC000  }
0x101: {  	_ =	swait.ge [sflag:s4], $0x4000  }
0x102: {  	[sflag:s4] =	ssyncset.done $0x0  }
0x103: {  	s6 =	simm.s32 $0x0;
	[sflag:s4] =	ssyncadd.s32 $0xFFFFC000  }
.LBB2_6:
0x104: {  	s24 =	sshll.u32 s6, $0x4  }
0x105: {  	v2 =	vld [tilespmem:s24+$0x200]  }
0x106: {  	v3 =	vld [tilespmem:s24+$0x300]  }
0x107: {  	v4 =	vld [tilespmem:s24+$0x380]  }
0x108: {  	v6 =	vld [tilespmem:s24+$0x280]  }
0x109: {  	v5 =	vmov s24  }
0x10a: {  	v5 =	vshll.u32 v5, $0x7  }
0x10b: {  	v5 =	vor.u32 v1, v5;
	vm0 =	vlt.s32 v2, $0x88000  }
0x10c: {  	vm15 =	vlt.s32 v3, $0x88000;
	vm1 =	vlt.s32 v4, $0x88000;
	v2 =	vsel vm0, $0x0, v0  }
0x10d: {  	v8 =	vshll.u32 v6, $0x7;
	v3 =	vsel vm15, $0x0, v0;
	v2 =	vor.u32 v2, v5  }
0x10e: {  	v4 =	vsel vm1, $0x0, v0;
	v3 =	vor.u32 v3, v5;
	v7 =	vor.u32 s23, v2  }
0x10f: {  	v4 =	vor.u32 v4, v5;
	v5 =	vor.u32 s23, v3  }
0x110: {  	v9 =	vor.u32 s23, v4  }
0x111: {  	s25 =	simm.s32 $0x1  }
0x112: {  	v10 =	vor.u32 $0x1, v8;
	v11 =	vor.u32 s25, v2;
	v6 =	vld.idx.msk [tilespmem:v8+s31+$0x0], $0xffff  }
0x113: {  	v14 =	vadd.s32 s23, v10;
	v15 =	vld.idx.msk [tilespmem:v7+s15+$0x0], $0xffff  }
0x114: {  	v12 =	vor.u32 s25, v3;
	v7 =	vld.idx.msk [tilespmem:v5+s17+$0x0], $0xffff  }
0x115: {  	v13 =	vor.u32 s25, v4;
	v8 =	vld.idx.msk [tilespmem:v9+s2+$0x0], $0xffff;
	_ =	sdelay $0x1  }
0x116: {  	s8 =	simm.s32 $0x2;
	v5 =	vimm.f32 $0.0e+00;
	v11 =	vld.idx.msk [tilespmem:v11+s15+$0x0], $0xffff;
	v9 =	vimm.f32 $0.0e+00  }
.LBB2_7:
0x117: {  	v16 =	vor.u32 s8, v2;
	v15 =	vadd.f32 v6, v15;
	v6 =	vld.idx.msk [tilespmem:v14+s31+$0x0], $0xffff;
	s26 =	smov.u32 s8;
	p0 =	sne.s32 s8, $0x3F  }
.Ltmp2:
0x118: {  	s8 =	sadd.s32 $0x1, s8;
	v14 =	vadd.s32 s25, v10;
	v17 =	vmov v7;
	v7 =	vld.idx.msk [tilespmem:v12+s17+$0x0], $0xffff;
	(pc) =	sbr.rel @p0 .LBB2_7-.Ltmp2, $4  }
0x119: {  	v12 =	vor.u32 s26, v3;
	s25 =	smov.u32 s26;
	v17 =	vmul.f32 v17, v15;
	v18 =	vmul.f32 v8, v15;
	v8 =	vld.idx.msk [tilespmem:v13+s2+$0x0], $0xffff  }
0x11a: {  	v13 =	vor.u32 s25, v4  }
0x11b: {  	v5 =	vadd.f32 v17, v5;
	v9 =	vadd.f32 v18, v9  }
0x11c: {  	v15 =	vmov v11;
	v11 =	vld.idx.msk [tilespmem:v16+s15+$0x0], $0xffff  }
0x11d: {  	_ =	sdelay $0x3  }
0x11e: {  	v2 =	vld.idx.msk [tilespmem:v14+s31+$0x0], $0xffff;
	_ =	sdelay $0x1  }
0x11f: {  	v3 =	vld.idx.msk [tilespmem:v12+s17+$0x0], $0xffff  }
0x120: {  	v4 =	vadd.f32 v6, v15;
	v63 =	vld.idx.msk [tilespmem:v13+s2+$0x0], $0xffff;
	_ =	sdelay $0x1  }
0x121: {  	v7 =	vmul.f32 v7, v4;
	v2 =	vadd.f32 v2, v11  }
0x122: {  	s6 =	sadd.s32 $0x1, s6;
	v4 =	vmul.f32 v8, v4  }
0x123: {  	p0 =	sne.s32 s6, $0x8;
	v5 =	vadd.f32 v7, v5;
	v3 =	vmul.f32 v3, v2  }
.Ltmp3:
0x124: {  	v4 =	vadd.f32 v4, v9;
	v2 =	vmul.f32 v63, v2;
	(pc) =	sbr.rel @p0 .LBB2_6-.Ltmp3, $4  }
0x125: {  	v3 =	vadd.f32 v3, v5  }
0x126: {  	v2 =	vadd.f32 v2, v4  }
0x127: {  	[tilespmem:s24+$0x1A700] =	vst v3  }
0x128: {  	[tilespmem:s24+$0x1A780] =	vst v2  }
0x129: {  	s23 =	simm.s32 $0x0;
	s6 =	rddreg [dreg:$0x12]  }
0x12a: {  	[hbm4b:s6+s23] =	stream.linear.scatter [tilespmem:s3], [sflag:$0x3], $0x80, $0x38;
	[tilespmem:$0x1A800] =	vst v63  }
0x12b: {  	_ =	swait.ge [sflag:s20], $0x80  }
0x12c: {  	[sflag:s20] =	ssyncset.done $0x0  }
0x12d: {  	s26 =	rddreg [dreg:$0x13];
	[sflag:s20] =	ssyncadd.s32 $0xFFFFFF80  }
0x12e: {  	[hbm4b:s26+s23] =	stream.linear.scatter [tilespmem:s21], [sflag:$0x3], $0x80, $0x38;
	[tilespmem:$0x1A800] =	vst v63  }
0x12f: {  	_ =	swait.ge [sflag:s20], $0x80  }
0x130: {  	[sflag:s20] =	ssyncset.done $0x0  }
0x131: {  	s8 =	rddreg [dreg:$0x14];
	[sflag:s20] =	ssyncadd.s32 $0xFFFFFF80  }
0x132: {  	[tilespmem:s10], [sflag:$0x3] =	stream.linear.gather [hbm4b:s8+s23], $0x80, $0x38;
	[tilespmem:$0x1A800] =	vst v63  }
0x133: {  	_ =	swait.ge [sflag:s20], $0x80  }
0x134: {  	[sflag:s20] =	ssyncset.done $0x0  }
0x135: {  	s24 =	rddreg [dreg:$0x15];
	[sflag:s20] =	ssyncadd.s32 $0xFFFFFF80  }
0x136: {  	[tilespmem:s11], [sflag:$0x3] =	stream.linear.gather [hbm4b:s24+s23], $0x80, $0x38;
	[tilespmem:$0x1A800] =	vst v63  }
0x137: {  	_ =	swait.ge [sflag:s20], $0x80  }
0x138: {  	[sflag:s20] =	ssyncset.done $0x0  }
0x139: {  	s25 =	rddreg [dreg:$0x17];
	[sflag:s20] =	ssyncadd.s32 $0xFFFFFF80  }
0x13a: {  	[tilespmem:s12], [sflag:$0x3] =	stream.linear.gather [hbm4b:s25+s23], $0x80, $0x38;
	[tilespmem:$0x1A800] =	vst v63  }
0x13b: {  	_ =	swait.ge [sflag:s20], $0x80  }
0x13c: {  	[sflag:s20] =	ssyncset.done $0x0  }
0x13d: {  	s26 =	rddreg [dreg:$0x19];
	[sflag:s20] =	ssyncadd.s32 $0xFFFFFF80  }
0x13e: {  	[tilespmem:s13], [sflag:$0x3] =	stream.linear.gather [hbm4b:s26+s23], $0x80, $0x38;
	[tilespmem:$0x1A800] =	vst v63  }
0x13f: {  	_ =	swait.ge [sflag:s20], $0x80  }
0x140: {  	[sflag:s20] =	ssyncset.done $0x0  }
0x141: {  	[sflag:s20] =	ssyncadd.s32 $0xFFFFFF80  }
0x142: {  	v2 =	vld [tilespmem:$0x200]  }
0x143: {  	v3 =	vld [tilespmem:$0x300]  }
0x144: {  	v4 =	vld [tilespmem:$0x380]  }
0x145: {  	v5 =	vld [tilespmem:$0x210]  }
0x146: {  	v6 =	vld [tilespmem:$0x310]  }
0x147: {  	v8 =	vld [tilespmem:$0x390];
	vm0 =	vlt.s32 v2, $0x88000;
	v7 =	vadd.s32 $0xFFF78000, v2  }
0x148: {  	v9 =	vld [tilespmem:$0x220];
	vm5 =	vlt.s32 v3, $0x88000;
	v46 =	vadd.s32 $0xFFF78000, v3;
	v2 =	vsel vm0, v2, v7  }
0x149: {  	v47 =	vld [tilespmem:$0x320];
	vm6 =	vlt.s32 v4, $0x88000;
	[tilespmem:$0x580] =	vst v2;
	v2 =	vsel vm5, v3, v46;
	v3 =	vadd.s32 $0xFFF78000, v4  }
0x14a: {  	v48 =	vld [tilespmem:$0x3A0];
	vm7 =	vlt.s32 v5, $0x88000;
	[tilespmem:$0x600] =	vst v2;
	v2 =	vsel vm6, v4, v3;
	v3 =	vadd.s32 $0xFFF78000, v5  }
0x14b: {  	v49 =	vld [tilespmem:$0x230];
	vm8 =	vlt.s32 v6, $0x88000;
	[tilespmem:$0x680] =	vst v2;
	v2 =	vsel vm7, v5, v3;
	v3 =	vadd.s32 $0xFFF78000, v6  }
0x14c: {  	v50 =	vld [tilespmem:$0x330];
	vm9 =	vlt.s32 v8, $0x88000;
	[tilespmem:$0x590] =	vst v2;
	v2 =	vsel vm8, v6, v3;
	v3 =	vadd.s32 $0xFFF78000, v8  }
0x14d: {  	v51 =	vld [tilespmem:$0x3B0];
	vm10 =	vlt.s32 v9, $0x88000;
	[tilespmem:$0x610] =	vst v2;
	v2 =	vsel vm9, v8, v3;
	v3 =	vadd.s32 $0xFFF78000, v9  }
0x14e: {  	v52 =	vld [tilespmem:$0x240];
	vm11 =	vlt.s32 v47, $0x88000;
	[tilespmem:$0x690] =	vst v2;
	v2 =	vsel vm10, v9, v3;
	v3 =	vadd.s32 $0xFFF78000, v47  }
0x14f: {  	v53 =	vld [tilespmem:$0x340];
	vm12 =	vlt.s32 v48, $0x88000;
	[tilespmem:$0x5A0] =	vst v2;
	v2 =	vsel vm11, v47, v3;
	v3 =	vadd.s32 $0xFFF78000, v48  }
0x150: {  	v54 =	vld [tilespmem:$0x3C0];
	vm13 =	vlt.s32 v49, $0x88000;
	[tilespmem:$0x620] =	vst v2;
	v2 =	vsel vm12, v48, v3;
	v3 =	vadd.s32 $0xFFF78000, v49  }
0x151: {  	v55 =	vld [tilespmem:$0x250];
	vm14 =	vlt.s32 v50, $0x88000;
	[tilespmem:$0x6A0] =	vst v2;
	v2 =	vsel vm13, v49, v3;
	v3 =	vadd.s32 $0xFFF78000, v50  }
0x152: {  	v56 =	vld [tilespmem:$0x350];
	vm15 =	vlt.s32 v51, $0x88000;
	[tilespmem:$0x5B0] =	vst v2;
	v2 =	vsel vm14, v50, v3;
	v3 =	vadd.s32 $0xFFF78000, v51  }
0x153: {  	v57 =	vld [tilespmem:$0x3D0];
	vm4 =	vlt.s32 v52, $0x88000;
	[tilespmem:$0x630] =	vst v2;
	v2 =	vsel vm15, v51, v3;
	v3 =	vadd.s32 $0xFFF78000, v52  }
0x154: {  	v58 =	vld [tilespmem:$0x260];
	vm5 =	vlt.s32 v53, $0x88000;
	[tilespmem:$0x6B0] =	vst v2;
	v2 =	vsel vm4, v52, v3;
	v3 =	vadd.s32 $0xFFF78000, v53  }
0x155: {  	v59 =	vld [tilespmem:$0x360];
	vm6 =	vlt.s32 v54, $0x88000;
	[tilespmem:$0x5C0] =	vst v2;
	v2 =	vsel vm5, v53, v3;
	v3 =	vadd.s32 $0xFFF78000, v54  }
0x156: {  	v60 =	vld [tilespmem:$0x3E0];
	vm7 =	vlt.s32 v55, $0x88000;
	[tilespmem:$0x640] =	vst v2;
	v2 =	vsel vm6, v54, v3;
	v3 =	vadd.s32 $0xFFF78000, v55  }
0x157: {  	v61 =	vld [tilespmem:$0x270];
	vm8 =	vlt.s32 v56, $0x88000;
	[tilespmem:$0x6C0] =	vst v2;
	v2 =	vsel vm7, v55, v3;
	v3 =	vadd.s32 $0xFFF78000, v56  }
0x158: {  	v62 =	vld [tilespmem:$0x370];
	vm9 =	vlt.s32 v57, $0x88000;
	[tilespmem:$0x5D0] =	vst v2;
	v2 =	vsel vm8, v56, v3;
	v3 =	vadd.s32 $0xFFF78000, v57  }
0x159: {  	v63 =	vld [tilespmem:$0x3F0];
	vm10 =	vlt.s32 v58, $0x88000;
	[tilespmem:$0x650] =	vst v2;
	v2 =	vsel vm9, v57, v3;
	v3 =	vadd.s32 $0xFFF78000, v58  }
0x15a: {  	vm11 =	vlt.s32 v59, $0x88000;
	[tilespmem:$0x6D0] =	vst v2;
	v2 =	vsel vm10, v58, v3;
	v3 =	vadd.s32 $0xFFF78000, v59  }
0x15b: {  	vm12 =	vlt.s32 v60, $0x88000;
	[tilespmem:$0x5E0] =	vst v2;
	v2 =	vsel vm11, v59, v3;
	v3 =	vadd.s32 $0xFFF78000, v60  }
0x15c: {  	vm13 =	vlt.s32 v61, $0x88000;
	[tilespmem:$0x660] =	vst v2;
	v2 =	vsel vm12, v60, v3;
	v3 =	vadd.s32 $0xFFF78000, v61  }
0x15d: {  	vm14 =	vlt.s32 v62, $0x88000;
	[tilespmem:$0x6E0] =	vst v2;
	v2 =	vsel vm13, v61, v3;
	v3 =	vadd.s32 $0xFFF78000, v62  }
0x15e: {  	vm15 =	vlt.s32 v63, $0x88000;
	[tilespmem:$0x5F0] =	vst v2;
	v2 =	vsel vm14, v62, v3;
	v3 =	vadd.s32 $0xFFF78000, v63  }
0x15f: {  	[tilespmem:$0x670] =	vst v2;
	v2 =	vsel vm15, v63, v3  }
0x160: {  	[tilespmem:$0x6F0] =	vst v2  }
0x161: {  	[tilespmem:s15], [sflag:$0x2] =	stream.indirect.gather [hbm4b:s29+s0], $0x80, s14, s0, $0xb8;
	[tilespmem:$0x1A800] =	vst v63  }
0x162: {  	_ = 	snop  }
0x163: {  	[tilespmem:s17], [sflag:$0x2] =	stream.indirect.gather [hbm4b:s29+s0], $0x80, s16, s0, $0xb8;
	[tilespmem:$0x1A800] =	vst v63  }
0x164: {  	_ = 	snop  }
0x165: {  	[tilespmem:s2], [sflag:$0x2] =	stream.indirect.gather [hbm4b:s29+s0], $0x80, s18, s0, $0xb8;
	[tilespmem:$0x1A800] =	vst v63  }
0x166: {  	_ =	swait.ge [sflag:s19], $0x4000  }
0x167: {  	[sflag:s19] =	ssyncset.done $0x0  }
0x168: {  	[sflag:s19] =	ssyncadd.s32 $0xFFFFC000  }
0x169: {  	_ =	swait.ge [sflag:s19], $0x4000  }
0x16a: {  	[sflag:s19] =	ssyncset.done $0x0  }
0x16b: {  	[sflag:s19] =	ssyncadd.s32 $0xFFFFC000  }
0x16c: {  	_ =	swait.ge [sflag:s19], $0x4000  }
0x16d: {  	[sflag:s19] =	ssyncset.done $0x0  }
0x16e: {  	s6 =	simm.s32 $0x0;
	[sflag:s19] =	ssyncadd.s32 $0xFFFFC000  }
.LBB2_10:
0x16f: {  	s24 =	sshll.u32 s6, $0x4  }
0x170: {  	v2 =	vld [tilespmem:s24+$0x0]  }
0x171: {  	v3 =	vld [tilespmem:s24+$0x100]  }
0x172: {  	v4 =	vld [tilespmem:s24+$0x180]  }
0x173: {  	v6 =	vld [tilespmem:s24+$0x80]  }
0x174: {  	v5 =	vmov s24  }
0x175: {  	v5 =	vshll.u32 v5, $0x7  }
0x176: {  	v5 =	vor.u32 v1, v5;
	vm0 =	vlt.s32 v2, $0x88000  }
0x177: {  	vm15 =	vlt.s32 v3, $0x88000;
	vm1 =	vlt.s32 v4, $0x88000;
	v2 =	vsel vm0, $0x0, v0  }
0x178: {  	v8 =	vshll.u32 v6, $0x7;
	v3 =	vsel vm15, $0x0, v0;
	v2 =	vor.u32 v2, v5  }
0x179: {  	v4 =	vsel vm1, $0x0, v0;
	v3 =	vor.u32 v3, v5;
	v7 =	vor.u32 s23, v2  }
0x17a: {  	v4 =	vor.u32 v4, v5;
	v5 =	vor.u32 s23, v3  }
0x17b: {  	v9 =	vor.u32 s23, v4  }
0x17c: {  	s25 =	simm.s32 $0x1  }
0x17d: {  	v10 =	vor.u32 $0x1, v8;
	v11 =	vor.u32 s25, v2;
	v6 =	vld.idx.msk [tilespmem:v8+s31+$0x0], $0xffff  }
0x17e: {  	v14 =	vadd.s32 s23, v10;
	v15 =	vld.idx.msk [tilespmem:v7+s5+$0x0], $0xffff  }
0x17f: {  	v12 =	vor.u32 s25, v3;
	v7 =	vld.idx.msk [tilespmem:v5+s7+$0x0], $0xffff  }
0x180: {  	v13 =	vor.u32 s25, v4;
	v8 =	vld.idx.msk [tilespmem:v9+s9+$0x0], $0xffff;
	_ =	sdelay $0x1  }
0x181: {  	s8 =	simm.s32 $0x2;
	v5 =	vimm.f32 $0.0e+00;
	v11 =	vld.idx.msk [tilespmem:v11+s5+$0x0], $0xffff;
	v9 =	vimm.f32 $0.0e+00  }
.LBB2_11:
0x182: {  	v16 =	vor.u32 s8, v2;
	v15 =	vadd.f32 v6, v15;
	v6 =	vld.idx.msk [tilespmem:v14+s31+$0x0], $0xffff;
	s26 =	smov.u32 s8;
	p0 =	sne.s32 s8, $0x3F  }
.Ltmp4:
0x183: {  	s8 =	sadd.s32 $0x1, s8;
	v14 =	vadd.s32 s25, v10;
	v17 =	vmov v7;
	v7 =	vld.idx.msk [tilespmem:v12+s7+$0x0], $0xffff;
	(pc) =	sbr.rel @p0 .LBB2_11-.Ltmp4, $4  }
0x184: {  	v12 =	vor.u32 s26, v3;
	s25 =	smov.u32 s26;
	v17 =	vmul.f32 v17, v15;
	v18 =	vmul.f32 v8, v15;
	v8 =	vld.idx.msk [tilespmem:v13+s9+$0x0], $0xffff  }
0x185: {  	v13 =	vor.u32 s25, v4  }
0x186: {  	v5 =	vadd.f32 v17, v5;
	v9 =	vadd.f32 v18, v9  }
0x187: {  	v15 =	vmov v11;
	v11 =	vld.idx.msk [tilespmem:v16+s5+$0x0], $0xffff  }
0x188: {  	_ =	sdelay $0x3  }
0x189: {  	v2 =	vld.idx.msk [tilespmem:v14+s31+$0x0], $0xffff;
	_ =	sdelay $0x1  }
0x18a: {  	v3 =	vld.idx.msk [tilespmem:v12+s7+$0x0], $0xffff  }
0x18b: {  	v4 =	vadd.f32 v6, v15;
	v63 =	vld.idx.msk [tilespmem:v13+s9+$0x0], $0xffff;
	_ =	sdelay $0x1  }
0x18c: {  	v7 =	vmul.f32 v7, v4;
	v2 =	vadd.f32 v2, v11  }
0x18d: {  	s6 =	sadd.s32 $0x1, s6;
	v4 =	vmul.f32 v8, v4  }
0x18e: {  	p0 =	sne.s32 s6, $0x8;
	v5 =	vadd.f32 v7, v5;
	v3 =	vmul.f32 v3, v2  }
.Ltmp5:
0x18f: {  	v4 =	vadd.f32 v4, v9;
	v2 =	vmul.f32 v63, v2;
	(pc) =	sbr.rel @p0 .LBB2_10-.Ltmp5, $4  }
0x190: {  	v3 =	vadd.f32 v3, v5  }
0x191: {  	v2 =	vadd.f32 v2, v4  }
0x192: {  	[tilespmem:s24+$0x1A700] =	vst v3  }
0x193: {  	[tilespmem:s24+$0x1A780] =	vst v2  }
0x194: {  	s23 =	simm.s32 $0x0;
	s6 =	rddreg [dreg:$0x1a]  }
0x195: {  	[hbm4b:s6+s23] =	stream.linear.scatter [tilespmem:s3], [sflag:$0x3], $0x80, $0x38;
	[tilespmem:$0x1A800] =	vst v63  }
0x196: {  	_ =	swait.ge [sflag:s20], $0x80  }
0x197: {  	[sflag:s20] =	ssyncset.done $0x0  }
0x198: {  	s26 =	rddreg [dreg:$0x1b];
	[sflag:s20] =	ssyncadd.s32 $0xFFFFFF80  }
0x199: {  	[hbm4b:s26+s23] =	stream.linear.scatter [tilespmem:s21], [sflag:$0x3], $0x80, $0x38;
	[tilespmem:$0x1A800] =	vst v63  }
0x19a: {  	_ =	swait.ge [sflag:s20], $0x80  }
0x19b: {  	[sflag:s20] =	ssyncset.done $0x0  }
0x19c: {  	[sflag:s20] =	ssyncadd.s32 $0xFFFFFF80  }
0x19d: {  	_ =	swait.ge [sflag:s4], $0x4000  }
0x19e: {  	[sflag:s4] =	ssyncset.done $0x0  }
0x19f: {  	[sflag:s4] =	ssyncadd.s32 $0xFFFFC000  }
0x1a0: {  	_ =	swait.ge [sflag:s4], $0x4000  }
0x1a1: {  	[sflag:s4] =	ssyncset.done $0x0  }
0x1a2: {  	[sflag:s4] =	ssyncadd.s32 $0xFFFFC000  }
0x1a3: {  	_ =	swait.ge [sflag:s4], $0x4000  }
0x1a4: {  	[sflag:s4] =	ssyncset.done $0x0  }
0x1a5: {  	s6 =	simm.s32 $0x0;
	[sflag:s4] =	ssyncadd.s32 $0xFFFFC000  }
.LBB2_14:
0x1a6: {  	s24 =	sshll.u32 s6, $0x4  }
0x1a7: {  	v2 =	vld [tilespmem:s24+$0x200]  }
0x1a8: {  	v3 =	vld [tilespmem:s24+$0x300]  }
0x1a9: {  	v4 =	vld [tilespmem:s24+$0x380]  }
0x1aa: {  	v6 =	vld [tilespmem:s24+$0x280]  }
0x1ab: {  	v5 =	vmov s24  }
0x1ac: {  	v5 =	vshll.u32 v5, $0x7  }
0x1ad: {  	v5 =	vor.u32 v1, v5;
	vm0 =	vlt.s32 v2, $0x88000  }
0x1ae: {  	vm15 =	vlt.s32 v3, $0x88000;
	vm1 =	vlt.s32 v4, $0x88000;
	v2 =	vsel vm0, $0x0, v0  }
0x1af: {  	v8 =	vshll.u32 v6, $0x7;
	v3 =	vsel vm15, $0x0, v0;
	v2 =	vor.u32 v2, v5  }
0x1b0: {  	v4 =	vsel vm1, $0x0, v0;
	v3 =	vor.u32 v3, v5;
	v7 =	vor.u32 s23, v2  }
0x1b1: {  	v4 =	vor.u32 v4, v5;
	v5 =	vor.u32 s23, v3  }
0x1b2: {  	v9 =	vor.u32 s23, v4  }
0x1b3: {  	s25 =	simm.s32 $0x1  }
0x1b4: {  	v10 =	vor.u32 $0x1, v8;
	v11 =	vor.u32 s25, v2;
	v6 =	vld.idx.msk [tilespmem:v8+s31+$0x0], $0xffff  }
0x1b5: {  	v14 =	vadd.s32 s23, v10;
	v15 =	vld.idx.msk [tilespmem:v7+s15+$0x0], $0xffff  }
0x1b6: {  	v12 =	vor.u32 s25, v3;
	v7 =	vld.idx.msk [tilespmem:v5+s17+$0x0], $0xffff  }
0x1b7: {  	v13 =	vor.u32 s25, v4;
	v8 =	vld.idx.msk [tilespmem:v9+s2+$0x0], $0xffff;
	_ =	sdelay $0x1  }
0x1b8: {  	s8 =	simm.s32 $0x2;
	v5 =	vimm.f32 $0.0e+00;
	v11 =	vld.idx.msk [tilespmem:v11+s15+$0x0], $0xffff;
	v9 =	vimm.f32 $0.0e+00  }
.LBB2_15:
0x1b9: {  	v16 =	vor.u32 s8, v2;
	v15 =	vadd.f32 v6, v15;
	v6 =	vld.idx.msk [tilespmem:v14+s31+$0x0], $0xffff;
	s26 =	smov.u32 s8;
	p0 =	sne.s32 s8, $0x3F  }
.Ltmp6:
0x1ba: {  	s8 =	sadd.s32 $0x1, s8;
	v14 =	vadd.s32 s25, v10;
	v17 =	vmov v7;
	v7 =	vld.idx.msk [tilespmem:v12+s17+$0x0], $0xffff;
	(pc) =	sbr.rel @p0 .LBB2_15-.Ltmp6, $4  }
0x1bb: {  	v12 =	vor.u32 s26, v3;
	s25 =	smov.u32 s26;
	v17 =	vmul.f32 v17, v15;
	v18 =	vmul.f32 v8, v15;
	v8 =	vld.idx.msk [tilespmem:v13+s2+$0x0], $0xffff  }
0x1bc: {  	v13 =	vor.u32 s25, v4  }
0x1bd: {  	v5 =	vadd.f32 v17, v5;
	v9 =	vadd.f32 v18, v9  }
0x1be: {  	v15 =	vmov v11;
	v11 =	vld.idx.msk [tilespmem:v16+s15+$0x0], $0xffff  }
0x1bf: {  	_ =	sdelay $0x3  }
0x1c0: {  	v2 =	vld.idx.msk [tilespmem:v14+s31+$0x0], $0xffff;
	_ =	sdelay $0x1  }
0x1c1: {  	v3 =	vld.idx.msk [tilespmem:v12+s17+$0x0], $0xffff  }
0x1c2: {  	v4 =	vadd.f32 v6, v15;
	v63 =	vld.idx.msk [tilespmem:v13+s2+$0x0], $0xffff;
	_ =	sdelay $0x1  }
0x1c3: {  	v7 =	vmul.f32 v7, v4;
	v2 =	vadd.f32 v2, v11  }
0x1c4: {  	s6 =	sadd.s32 $0x1, s6;
	v4 =	vmul.f32 v8, v4  }
0x1c5: {  	p0 =	sne.s32 s6, $0x8;
	v5 =	vadd.f32 v7, v5;
	v3 =	vmul.f32 v3, v2  }
.Ltmp7:
0x1c6: {  	v4 =	vadd.f32 v4, v9;
	v2 =	vmul.f32 v63, v2;
	(pc) =	sbr.rel @p0 .LBB2_14-.Ltmp7, $4  }
0x1c7: {  	v3 =	vadd.f32 v3, v5  }
0x1c8: {  	v2 =	vadd.f32 v2, v4  }
0x1c9: {  	[tilespmem:s24+$0x1A700] =	vst v3  }
0x1ca: {  	[tilespmem:s24+$0x1A780] =	vst v2  }
0x1cb: {  	s6 =	rddreg [dreg:$0x1c]  }
0x1cc: {  	[hbm4b:s6+s1] =	stream.linear.scatter [tilespmem:s3], [sflag:$0x3], $0x80, $0x38;
	[tilespmem:$0x1A800] =	vst v63  }
0x1cd: {  	s22 =	sadd.s32 $0x1, s22;
	_ =	swait.ge [sflag:s20], $0x80  }
0x1ce: {  	p0 =	sne.s32 s22, s30;
	[sflag:s20] =	ssyncset.done $0x0  }
.Ltmp8:
0x1cf: {  	s26 =	rddreg [dreg:$0x1d];
	[sflag:s20] =	ssyncadd.s32 $0xFFFFFF80;
	(pc) =	sbr.rel @p0 .LBB2_1-.Ltmp8, $4  }
0x1d0: {  	[hbm4b:s26+s1] =	stream.linear.scatter [tilespmem:s21], [sflag:$0x3], $0x80, $0x38;
	[tilespmem:$0x1A800] =	vst v63  }
0x1d1: {  	_ =	swait.ge [sflag:s20], $0x80  }
0x1d2: {  	[sflag:s20] =	ssyncset.done $0x0  }
0x1d3: {  	s26 =	simm.s32 $0x100;
	[sflag:s20] =	ssyncadd.s32 $0xFFFFFF80  }
0x1d4: {  	_ =	sfence.sel $0x180000  }
0x1d5: {  	[bflag:$0x0] =	sbarrier.arrive $0xFFFF  }
0x1d6: {  	_ =	strace $0x90000047  }
0x1d7: {  	s0 =	stileid.u32;
	[bflag:$0x2] =	sbarrier.arrive $0xFFFF  }
0x1d8: {  	p0 =	sne.s32 s0, $0x0;
	s0 =	rddreg [dreg:$0x5]  }
0x1d9: {  	s0 =	sadd.s32 @!p0 $0x100000, s0  }
0x1da: {  	[sflag:s0] =	ssyncadd.tile.s32 @!p0 $0x1;
	_ =	shalt  }
.Lfunc_end2:
_tile_overlayer_lowered:
.L_overlay_start_2:
0x1db: {  	(tag) =	ssettag $0x2  }
0x1dc: {  	s0 =	rddreg [dreg:$0x0];
	s2 =	stileid.u32  }
0x1dd: {  	s1 =	rddreg [dreg:$0x1];
	p0 =	sne.s32 s2, $0x0  }
0x1de: {  	s3 =	rddreg [dreg:$0x2];
	[bflag:$0x3] =	sbarrier.arrive $0xFFFF;
	s2 =	simm.s32 @!p0 $0x1C03  }
0x1df: {  	[timem:s3], [sflag:s2] =	dma.local @!p0 [hbm:s0], s1  }
0x1e0: {  	s0 =	simm.s32 @!p0 $0x3  }
0x1e1: {  	_ =	swait.ge @!p0 [sflag:s0], s1  }
0x1e2: {  	s1 =	ssub.s32 @!p0 $0x0, s1;
	[sflag:s0] =	ssyncset.done @!p0 $0x0  }
0x1e3: {  	[sflag:s0] =	ssyncadd.s32 @!p0 s1  }
0x1e4: {  	[bflag:$0x3] =	sbarrier.arrive $0xFFFF  }
0x1e5: {  	_ =	shalt  }

</sc_bundles>
